<compile_context>
chip_gen: v7x
topology: tpu7x:2x2x1
jax: 0.10.2.dev20260603
libtpu: 0.0.44.dev20260713+nightly
codegen_flags: <defaults>
</compile_context>

<pallas_src>
import functools

import jax
import jax.numpy as jnp
from jax import lax
from jax.experimental import pallas as pl
from jax.experimental.pallas import tpu as pltpu
from jax.experimental.pallas import tpu_sc as plsc

NBINS = 10
NC = 2
NS = 16
LANES = 16
NW = NC * NS

N_TOTAL = 8388608
PER_W = N_TOTAL // NW
CHUNK = 16384
NCH = PER_W // CHUNK
VPC = CHUNK // LANES


def _gather16(vec, idx):
    dn = lax.GatherDimensionNumbers(
        offset_dims=(), collapsed_slice_dims=(0,), start_index_map=(0,))
    return lax.gather(vec, idx.reshape(LANES, 1), dn, (1,),
                      mode=lax.GatherScatterMode.PROMISE_IN_BOUNDS)


def _sc_body(pred_hbm, lab_hbm, conf_hbm, bnd_hbm,
             outi_hbm, outf_hbm,
             pred_v, lab_v, conf_v, bnd_v, histi_v, histf_v,
             sp0, sp1, sl0, sl1, sc0, sc1):
    cid = lax.axis_index("c")
    sid = lax.axis_index("s")
    wid = sid * NC + cid
    base = wid * PER_W

    pltpu.sync_copy(bnd_hbm, bnd_v)
    blow = bnd_v[pl.ds(0, LANES)]
    bhigh = bnd_v[pl.ds(LANES, LANES)]
    lane = lax.iota(jnp.int32, LANES)

    zi = jnp.zeros((LANES,), jnp.int32)
    zf = jnp.zeros((LANES,), jnp.float32)
    for bb in range(NBINS):
        histi_v[pl.ds(bb * LANES, LANES)] = zi
        histf_v[pl.ds(bb * LANES, LANES)] = zf

    psems = (sp0, sp1)
    lsems = (sl0, sl1)
    csems = (sc0, sc1)

    def start(c, par):
        off = base + c * CHUNK
        pltpu.async_copy(pred_hbm.at[pl.ds(off, CHUNK)], pred_v.at[par], psems[par])
        pltpu.async_copy(lab_hbm.at[pl.ds(off, CHUNK)], lab_v.at[par], lsems[par])
        pltpu.async_copy(conf_hbm.at[pl.ds(off, CHUNK)], conf_v.at[par], csems[par])

    def wait(par):
        pltpu.make_async_copy(pred_hbm.at[pl.ds(0, CHUNK)], pred_v.at[par], psems[par]).wait()
        pltpu.make_async_copy(lab_hbm.at[pl.ds(0, CHUNK)], lab_v.at[par], lsems[par]).wait()
        pltpu.make_async_copy(conf_hbm.at[pl.ds(0, CHUNK)], conf_v.at[par], csems[par]).wait()

    start(0, 0)

    def process(c, par):
        wait(par)

        @pl.when(c + 1 < NCH)
        def _():
            start(c + 1, par ^ 1)

        @plsc.parallel_loop(0, VPC, unroll=8)
        def vbody(i):
            off = i * LANES
            p = pred_v[par, pl.ds(off, LANES)]
            l = lab_v[par, pl.ds(off, LANES)]
            v = conf_v[par, pl.ds(off, LANES)]
            combo = jnp.where(p == l, jnp.int32(65537), jnp.int32(1))
            t = (v * jnp.float32(10.0)).astype(jnp.int32)
            bt = _gather16(blow, t)
            bt1 = _gather16(bhigh, t)
            binv = t - jnp.where(v <= bt, 1, 0) + jnp.where(v > bt1, 1, 0)
            flat = binv * LANES + lane
            plsc.addupdate_scatter(histi_v, [flat], combo)
            plsc.addupdate_scatter(histf_v, [flat], v)

    def pair(g, carry):
        process(g * 2, 0)
        process(g * 2 + 1, 1)
        return carry

    lax.fori_loop(0, NCH // 2, pair, 0)

    for bb in range(NBINS):
        pltpu.sync_copy(histi_v.at[pl.ds(bb * LANES, LANES)],
                        outi_hbm.at[bb, pl.ds(wid * LANES, LANES)])
        pltpu.sync_copy(histf_v.at[pl.ds(bb * LANES, LANES)],
                        outf_hbm.at[bb, pl.ds(wid * LANES, LANES)])


_sc_hist = functools.partial(
    pl.kernel,
    out_type=(
        jax.ShapeDtypeStruct((NBINS, NW * LANES), jnp.int32),
        jax.ShapeDtypeStruct((NBINS, NW * LANES), jnp.float32),
    ),
    mesh=plsc.VectorSubcoreMesh(core_axis_name="c", subcore_axis_name="s"),
    compiler_params=pltpu.CompilerParams(
        needs_layout_passes=False, use_tc_tiling_on_sc=False,
        skip_device_barrier=True),
    scratch_types=[
        pltpu.VMEM((2, CHUNK), jnp.int32),
        pltpu.VMEM((2, CHUNK), jnp.int32),
        pltpu.VMEM((2, CHUNK), jnp.float32),
        pltpu.VMEM((2 * LANES,), jnp.float32),
        pltpu.VMEM((NBINS * LANES,), jnp.int32),
        pltpu.VMEM((NBINS * LANES,), jnp.float32),
        pltpu.SemaphoreType.DMA,
        pltpu.SemaphoreType.DMA,
        pltpu.SemaphoreType.DMA,
        pltpu.SemaphoreType.DMA,
        pltpu.SemaphoreType.DMA,
        pltpu.SemaphoreType.DMA,
    ],
)(_sc_body)


def _tc_finalize_body(xi_ref, xf_ref, ece_ref, acc_ref, conf_ref, cnt_ref):
    xiv = xi_ref[...]
    xfv = xf_ref[...]
    low = jnp.bitwise_and(xiv, 0xFFFF)
    high = lax.shift_right_logical(xiv, 16)
    counts = jnp.sum(low, axis=1, keepdims=True)
    accs = jnp.sum(high, axis=1, keepdims=True)
    confs = jnp.sum(xfv, axis=1, keepdims=True)
    total = jnp.sum(counts)
    cf = counts.astype(jnp.float32)
    prob = cf / total.astype(jnp.float32)
    safe = jnp.maximum(cf, 1.0)
    pos = counts > 0
    accn = jnp.where(pos, accs.astype(jnp.float32) / safe, 0.0)
    confn = jnp.where(pos, confs / safe, 0.0)
    ece = jnp.sum(jnp.abs(confn - accn) * prob)
    ece_ref[...] = jnp.full((1, 128), ece, jnp.float32)
    acc_ref[...] = jnp.broadcast_to(accs, (NBINS, 128))
    conf_ref[...] = jnp.broadcast_to(confs, (NBINS, 128))
    cnt_ref[...] = jnp.broadcast_to(counts, (NBINS, 128))


_tc_finalize = pl.pallas_call(
    _tc_finalize_body,
    out_shape=(
        jax.ShapeDtypeStruct((1, 128), jnp.float32),
        jax.ShapeDtypeStruct((NBINS, 128), jnp.int32),
        jax.ShapeDtypeStruct((NBINS, 128), jnp.float32),
        jax.ShapeDtypeStruct((NBINS, 128), jnp.int32),
    ),
)


def kernel(predictions, labels, confidences):
    predictions = predictions.reshape(-1)
    labels = labels.reshape(-1)
    confidences = confidences.reshape(-1)

    bnd = jnp.linspace(0.0, 1.0, NBINS + 1, dtype=jnp.float32)
    pad = jnp.full((LANES - NBINS,), 2.0, jnp.float32)
    blow_vals = jnp.concatenate(
        [jnp.full((1,), -1.0, jnp.float32), bnd[1:NBINS]])
    bnd_packed = jnp.concatenate([blow_vals, pad, bnd[1:NBINS + 1], pad])

    parti, partf = _sc_hist(predictions, labels, confidences, bnd_packed)
    ece2, acc2, conf2, cnt2 = _tc_finalize(parti, partf)
    return ece2[0, 0], acc2[:, 0], conf2[:, 0], cnt2[:, 0]

# --- scband reference (transcript-rebuilt; emitter-appended) ---
"""Pipeline reference for scband-ece-36232344109362 (READ-ONLY COPY).

The authoritative reference and input builder live on the scoring server;
editing this copy changes nothing except your own understanding.
"""

import jax, jax.numpy as jnp
import numpy as np

N_BINS = 10


def setup_inputs(seed: int = 0) -> dict:
    key = jax.random.key(seed)
    k1, k2, k3 = jax.random.split(key, 3)
    N = 8388608
    predictions = jax.random.randint(k1, (N,), 0, 1000, dtype=jnp.int32)
    labels = jax.random.randint(k2, (N,), 0, 1000, dtype=jnp.int32)
    confidences = jax.random.uniform(k3, (N,), dtype=jnp.float32)
    return {"predictions": predictions, "labels": labels, "confidences": confidences}


def reference(predictions, labels, confidences):
    # int-label code path of CalibrationLoss._parse_input
    confidences = confidences.reshape(-1)
    accuracies = (predictions == labels).astype(jnp.int32).reshape(-1)

    bin_boundaries = jnp.linspace(0.0, 1.0, N_BINS + 1, dtype=confidences.dtype)
    # torch.bucketize(right=False): boundaries[i-1] < v <= boundaries[i] -> searchsorted side='left'
    indices = jnp.searchsorted(bin_boundaries, confidences, side="left") - 1
    indices = jnp.clip(indices, 0, N_BINS - 1)

    ones = jnp.ones_like(accuracies)
    counts_bins = jax.ops.segment_sum(ones, indices, num_segments=N_BINS)
    accuracies_bins = jax.ops.segment_sum(accuracies, indices, num_segments=N_BINS)
    confidences_bins = jax.ops.segment_sum(confidences, indices, num_segments=N_BINS)

    total = counts_bins.sum()
    prob_normalized = counts_bins.astype(jnp.float32) / total.astype(jnp.float32)
    safe_counts = jnp.maximum(counts_bins, 1).astype(jnp.float32)
    acc_normalized = jnp.where(counts_bins > 0, accuracies_bins.astype(jnp.float32) / safe_counts, 0.0)
    conf_normalized = jnp.where(counts_bins > 0, confidences_bins / safe_counts, 0.0)
    ece = jnp.sum(jnp.abs(conf_normalized - acc_normalized) * prob_normalized)
    return ece, accuracies_bins, confidences_bins, counts_bins

if __name__ == "__main__":
    import jax
    _d = setup_inputs()
    print(jax.jit(kernel)(*tuple(_d.values())))

</pallas_src>

<mosaic_0001>
#map = affine_map<(d0, d1) -> (0)>
#map1 = affine_map<(d0, d1) -> (0, 0)>
module attributes {stable_mosaic.version = 14 : i64} {
  func.func @_sc_body(%arg0: i32, %arg1: i32, %arg2: memref<8388608xi32, #tpu.memory_space<hbm>>, %arg3: memref<8388608xi32, #tpu.memory_space<hbm>>, %arg4: memref<8388608xf32, #tpu.memory_space<hbm>>, %arg5: memref<32xf32, #tpu.memory_space<hbm>>, %arg6: memref<10x512xi32, #tpu.memory_space<hbm>>, %arg7: memref<10x512xf32, #tpu.memory_space<hbm>>, %arg8: memref<2x16384xi32, #tpu.memory_space<vmem>>, %arg9: memref<2x16384xi32, #tpu.memory_space<vmem>>, %arg10: memref<2x16384xf32, #tpu.memory_space<vmem>>, %arg11: memref<32xf32, #tpu.memory_space<vmem>>, %arg12: memref<160xi32, #tpu.memory_space<vmem>>, %arg13: memref<160xf32, #tpu.memory_space<vmem>>, %arg14: memref<!tpu.dma_semaphore, #tpu.memory_space<semaphore_mem>>, %arg15: memref<!tpu.dma_semaphore, #tpu.memory_space<semaphore_mem>>, %arg16: memref<!tpu.dma_semaphore, #tpu.memory_space<semaphore_mem>>, %arg17: memref<!tpu.dma_semaphore, #tpu.memory_space<semaphore_mem>>, %arg18: memref<!tpu.dma_semaphore, #tpu.memory_space<semaphore_mem>>, %arg19: memref<!tpu.dma_semaphore, #tpu.memory_space<semaphore_mem>>) attributes {dimension_semantics = [#tpu.dimension_semantics<core_parallel>, #tpu.dimension_semantics<subcore_parallel>], iteration_bounds = array<i64: 2, 16>, scalar_prefetch = 0 : i64, scratch_operands = 12 : i64, tpu.core_type = #tpu.core_type<sc_vector_subcore>, window_params = [{transform_indices = #map}, {transform_indices = #map}, {transform_indices = #map}, {transform_indices = #map}, {transform_indices = #map1}, {transform_indices = #map1}]} {
    %mul3A = arith.constant 2 : i32
    %mul3A_0 = arith.muli %arg1, %mul3A : i32
    %add3A = arith.addi %mul3A_0, %arg0 : i32
    %mul3A_1 = arith.constant 262144 : i32
    %mul3A_2 = arith.muli %add3A, %mul3A_1 : i32
    "tpu.region"() ({
      %run_scoped3A_140 = tpu.sem_alloc : memref<!tpu.dma_semaphore, #tpu.memory_space<semaphore_mem>>
      tpu.enqueue_dma source(%arg5 : memref<32xf32, #tpu.memory_space<hbm>>) target(%arg11 : memref<32xf32, #tpu.memory_space<vmem>>) target_semaphore(%run_scoped3A_140 : memref<!tpu.dma_semaphore, #tpu.memory_space<semaphore_mem>>)
      tpu.wait_dma2 semaphore(%run_scoped3A_140 : memref<!tpu.dma_semaphore, #tpu.memory_space<semaphore_mem>>) src(%arg5 : memref<32xf32, #tpu.memory_space<hbm>>) dst(%arg11 : memref<32xf32, #tpu.memory_space<vmem>>)
      tpu.yield
    }) : () -> ()
    %get3A = arith.constant 0 : index
    %get3A_3 = tpu.vector_load %arg11[%get3A] {strides = array<i32>} : memref<32xf32, #tpu.memory_space<vmem>>, vector<16xf32>,
    %get3A_4 = arith.constant 16 : index
    %get3A_5 = tpu.vector_load %arg11[%get3A_4] {strides = array<i32>} : memref<32xf32, #tpu.memory_space<vmem>>, vector<16xf32>,
    %iota3A = tpu.iota {dimensions = array<i32: 0>} : vector<16xi32>
    %broadcast_in_dim3A = arith.constant 0 : i32
    %broadcast_in_dim3A_6 = vector.broadcast %broadcast_in_dim3A : i32 to vector<16xi32>
    %broadcast_in_dim3A_7 = arith.constant 0.000000e+00 : f32
    %broadcast_in_dim3A_8 = vector.broadcast %broadcast_in_dim3A_7 : f32 to vector<16xf32>
    %swap3A = arith.constant 0 : index
    %swap3A_9 = tpu.vector_load %arg12[%swap3A] {strides = array<i32>} : memref<160xi32, #tpu.memory_space<vmem>>, vector<16xi32>,
    tpu.vector_store %arg12[%swap3A], %broadcast_in_dim3A_6 {strides = array<i32>} : memref<160xi32, #tpu.memory_space<vmem>>, vector<16xi32>,
    %swap3A_10 = arith.constant 0 : index
    %swap3A_11 = tpu.vector_load %arg13[%swap3A_10] {strides = array<i32>} : memref<160xf32, #tpu.memory_space<vmem>>, vector<16xf32>,
    tpu.vector_store %arg13[%swap3A_10], %broadcast_in_dim3A_8 {strides = array<i32>} : memref<160xf32, #tpu.memory_space<vmem>>, vector<16xf32>,
    %swap3A_12 = arith.constant 16 : index
    %swap3A_13 = tpu.vector_load %arg12[%swap3A_12] {strides = array<i32>} : memref<160xi32, #tpu.memory_space<vmem>>, vector<16xi32>,
    tpu.vector_store %arg12[%swap3A_12], %broadcast_in_dim3A_6 {strides = array<i32>} : memref<160xi32, #tpu.memory_space<vmem>>, vector<16xi32>,
    %swap3A_14 = arith.constant 16 : index
    %swap3A_15 = tpu.vector_load %arg13[%swap3A_14] {strides = array<i32>} : memref<160xf32, #tpu.memory_space<vmem>>, vector<16xf32>,
    tpu.vector_store %arg13[%swap3A_14], %broadcast_in_dim3A_8 {strides = array<i32>} : memref<160xf32, #tpu.memory_space<vmem>>, vector<16xf32>,
    %swap3A_16 = arith.constant 32 : index
    %swap3A_17 = tpu.vector_load %arg12[%swap3A_16] {strides = array<i32>} : memref<160xi32, #tpu.memory_space<vmem>>, vector<16xi32>,
    tpu.vector_store %arg12[%swap3A_16], %broadcast_in_dim3A_6 {strides = array<i32>} : memref<160xi32, #tpu.memory_space<vmem>>, vector<16xi32>,
    %swap3A_18 = arith.constant 32 : index
    %swap3A_19 = tpu.vector_load %arg13[%swap3A_18] {strides = array<i32>} : memref<160xf32, #tpu.memory_space<vmem>>, vector<16xf32>,
    tpu.vector_store %arg13[%swap3A_18], %broadcast_in_dim3A_8 {strides = array<i32>} : memref<160xf32, #tpu.memory_space<vmem>>, vector<16xf32>,
    %swap3A_20 = arith.constant 48 : index
    %swap3A_21 = tpu.vector_load %arg12[%swap3A_20] {strides = array<i32>} : memref<160xi32, #tpu.memory_space<vmem>>, vector<16xi32>,
    tpu.vector_store %arg12[%swap3A_20], %broadcast_in_dim3A_6 {strides = array<i32>} : memref<160xi32, #tpu.memory_space<vmem>>, vector<16xi32>,
    %swap3A_22 = arith.constant 48 : index
    %swap3A_23 = tpu.vector_load %arg13[%swap3A_22] {strides = array<i32>} : memref<160xf32, #tpu.memory_space<vmem>>, vector<16xf32>,
    tpu.vector_store %arg13[%swap3A_22], %broadcast_in_dim3A_8 {strides = array<i32>} : memref<160xf32, #tpu.memory_space<vmem>>, vector<16xf32>,
    %swap3A_24 = arith.constant 64 : index
    %swap3A_25 = tpu.vector_load %arg12[%swap3A_24] {strides = array<i32>} : memref<160xi32, #tpu.memory_space<vmem>>, vector<16xi32>,
    tpu.vector_store %arg12[%swap3A_24], %broadcast_in_dim3A_6 {strides = array<i32>} : memref<160xi32, #tpu.memory_space<vmem>>, vector<16xi32>,
    %swap3A_26 = arith.constant 64 : index
    %swap3A_27 = tpu.vector_load %arg13[%swap3A_26] {strides = array<i32>} : memref<160xf32, #tpu.memory_space<vmem>>, vector<16xf32>,
    tpu.vector_store %arg13[%swap3A_26], %broadcast_in_dim3A_8 {strides = array<i32>} : memref<160xf32, #tpu.memory_space<vmem>>, vector<16xf32>,
    %swap3A_28 = arith.constant 80 : index
    %swap3A_29 = tpu.vector_load %arg12[%swap3A_28] {strides = array<i32>} : memref<160xi32, #tpu.memory_space<vmem>>, vector<16xi32>,
    tpu.vector_store %arg12[%swap3A_28], %broadcast_in_dim3A_6 {strides = array<i32>} : memref<160xi32, #tpu.memory_space<vmem>>, vector<16xi32>,
    %swap3A_30 = arith.constant 80 : index
    %swap3A_31 = tpu.vector_load %arg13[%swap3A_30] {strides = array<i32>} : memref<160xf32, #tpu.memory_space<vmem>>, vector<16xf32>,
    tpu.vector_store %arg13[%swap3A_30], %broadcast_in_dim3A_8 {strides = array<i32>} : memref<160xf32, #tpu.memory_space<vmem>>, vector<16xf32>,
    %swap3A_32 = arith.constant 96 : index
    %swap3A_33 = tpu.vector_load %arg12[%swap3A_32] {strides = array<i32>} : memref<160xi32, #tpu.memory_space<vmem>>, vector<16xi32>,
    tpu.vector_store %arg12[%swap3A_32], %broadcast_in_dim3A_6 {strides = array<i32>} : memref<160xi32, #tpu.memory_space<vmem>>, vector<16xi32>,
    %swap3A_34 = arith.constant 96 : index
    %swap3A_35 = tpu.vector_load %arg13[%swap3A_34] {strides = array<i32>} : memref<160xf32, #tpu.memory_space<vmem>>, vector<16xf32>,
    tpu.vector_store %arg13[%swap3A_34], %broadcast_in_dim3A_8 {strides = array<i32>} : memref<160xf32, #tpu.memory_space<vmem>>, vector<16xf32>,
    %swap3A_36 = arith.constant 112 : index
    %swap3A_37 = tpu.vector_load %arg12[%swap3A_36] {strides = array<i32>} : memref<160xi32, #tpu.memory_space<vmem>>, vector<16xi32>,
    tpu.vector_store %arg12[%swap3A_36], %broadcast_in_dim3A_6 {strides = array<i32>} : memref<160xi32, #tpu.memory_space<vmem>>, vector<16xi32>,
    %swap3A_38 = arith.constant 112 : index
    %swap3A_39 = tpu.vector_load %arg13[%swap3A_38] {strides = array<i32>} : memref<160xf32, #tpu.memory_space<vmem>>, vector<16xf32>,
    tpu.vector_store %arg13[%swap3A_38], %broadcast_in_dim3A_8 {strides = array<i32>} : memref<160xf32, #tpu.memory_space<vmem>>, vector<16xf32>,
    %swap3A_40 = arith.constant 128 : index
    %swap3A_41 = tpu.vector_load %arg12[%swap3A_40] {strides = array<i32>} : memref<160xi32, #tpu.memory_space<vmem>>, vector<16xi32>,
    tpu.vector_store %arg12[%swap3A_40], %broadcast_in_dim3A_6 {strides = array<i32>} : memref<160xi32, #tpu.memory_space<vmem>>, vector<16xi32>,
    %swap3A_42 = arith.constant 128 : index
    %swap3A_43 = tpu.vector_load %arg13[%swap3A_42] {strides = array<i32>} : memref<160xf32, #tpu.memory_space<vmem>>, vector<16xf32>,
    tpu.vector_store %arg13[%swap3A_42], %broadcast_in_dim3A_8 {strides = array<i32>} : memref<160xf32, #tpu.memory_space<vmem>>, vector<16xf32>,
    %swap3A_44 = arith.constant 144 : index
    %swap3A_45 = tpu.vector_load %arg12[%swap3A_44] {strides = array<i32>} : memref<160xi32, #tpu.memory_space<vmem>>, vector<16xi32>,
    tpu.vector_store %arg12[%swap3A_44], %broadcast_in_dim3A_6 {strides = array<i32>} : memref<160xi32, #tpu.memory_space<vmem>>, vector<16xi32>,
    %swap3A_46 = arith.constant 144 : index
    %swap3A_47 = tpu.vector_load %arg13[%swap3A_46] {strides = array<i32>} : memref<160xf32, #tpu.memory_space<vmem>>, vector<16xf32>,
    tpu.vector_store %arg13[%swap3A_46], %broadcast_in_dim3A_8 {strides = array<i32>} : memref<160xf32, #tpu.memory_space<vmem>>, vector<16xf32>,
    %add3A_48 = arith.constant 0 : i32
    %add3A_49 = arith.addi %mul3A_2, %add3A_48 : i32
    %dma_start3A = arith.constant 0 : i32
    %dma_start3A_50 = arith.constant 0 : i32
    %dma_start3A_51 = tpu.memref_slice %arg8[%dma_start3A, %dma_start3A_50] : memref<2x16384xi32, #tpu.memory_space<vmem>> -> memref<1x16384xi32, #tpu.memory_space<vmem>>
    %dma_start3A_52 = tpu.memref_squeeze %dma_start3A_51 : memref<1x16384xi32, #tpu.memory_space<vmem>> -> memref<16384xi32, #tpu.memory_space<vmem>>
    %dma_start3A_53 = tpu.memref_slice %arg2[%add3A_49] : memref<8388608xi32, #tpu.memory_space<hbm>> -> memref<16384xi32, #tpu.memory_space<hbm>>
    %dma_start3A_54 = arith.constant 0 : i32
    %dma_start3A_55 = tpu.memref_slice %arg8[%dma_start3A, %dma_start3A_54] : memref<2x16384xi32, #tpu.memory_space<vmem>> -> memref<1x16384xi32, #tpu.memory_space<vmem>>
    %dma_start3A_56 = tpu.memref_squeeze %dma_start3A_55 : memref<1x16384xi32, #tpu.memory_space<vmem>> -> memref<16384xi32, #tpu.memory_space<vmem>>
    %dma_start3A_57 = tpu.memref_slice %arg2[%add3A_49] : memref<8388608xi32, #tpu.memory_space<hbm>> -> memref<16384xi32, #tpu.memory_space<hbm>>
    tpu.enqueue_dma source(%dma_start3A_57 : memref<16384xi32, #tpu.memory_space<hbm>>) target(%dma_start3A_56 : memref<16384xi32, #tpu.memory_space<vmem>>) target_semaphore(%arg14 : memref<!tpu.dma_semaphore, #tpu.memory_space<semaphore_mem>>)
    %dma_start3A_58 = arith.constant 0 : i32
    %dma_start3A_59 = arith.constant 0 : i32
    %dma_start3A_60 = tpu.memref_slice %arg9[%dma_start3A_58, %dma_start3A_59] : memref<2x16384xi32, #tpu.memory_space<vmem>> -> memref<1x16384xi32, #tpu.memory_space<vmem>>
    %dma_start3A_61 = tpu.memref_squeeze %dma_start3A_60 : memref<1x16384xi32, #tpu.memory_space<vmem>> -> memref<16384xi32, #tpu.memory_space<vmem>>
    %dma_start3A_62 = tpu.memref_slice %arg3[%add3A_49] : memref<8388608xi32, #tpu.memory_space<hbm>> -> memref<16384xi32, #tpu.memory_space<hbm>>
    %dma_start3A_63 = arith.constant 0 : i32
    %dma_start3A_64 = tpu.memref_slice %arg9[%dma_start3A_58, %dma_start3A_63] : memref<2x16384xi32, #tpu.memory_space<vmem>> -> memref<1x16384xi32, #tpu.memory_space<vmem>>
    %dma_start3A_65 = tpu.memref_squeeze %dma_start3A_64 : memref<1x16384xi32, #tpu.memory_space<vmem>> -> memref<16384xi32, #tpu.memory_space<vmem>>
    %dma_start3A_66 = tpu.memref_slice %arg3[%add3A_49] : memref<8388608xi32, #tpu.memory_space<hbm>> -> memref<16384xi32, #tpu.memory_space<hbm>>
    tpu.enqueue_dma source(%dma_start3A_66 : memref<16384xi32, #tpu.memory_space<hbm>>) target(%dma_start3A_65 : memref<16384xi32, #tpu.memory_space<vmem>>) target_semaphore(%arg16 : memref<!tpu.dma_semaphore, #tpu.memory_space<semaphore_mem>>)
    %dma_start3A_67 = arith.constant 0 : i32
    %dma_start3A_68 = arith.constant 0 : i32
    %dma_start3A_69 = tpu.memref_slice %arg10[%dma_start3A_67, %dma_start3A_68] : memref<2x16384xf32, #tpu.memory_space<vmem>> -> memref<1x16384xf32, #tpu.memory_space<vmem>>
    %dma_start3A_70 = tpu.memref_squeeze %dma_start3A_69 : memref<1x16384xf32, #tpu.memory_space<vmem>> -> memref<16384xf32, #tpu.memory_space<vmem>>
    %dma_start3A_71 = tpu.memref_slice %arg4[%add3A_49] : memref<8388608xf32, #tpu.memory_space<hbm>> -> memref<16384xf32, #tpu.memory_space<hbm>>
    %dma_start3A_72 = arith.constant 0 : i32
    %dma_start3A_73 = tpu.memref_slice %arg10[%dma_start3A_67, %dma_start3A_72] : memref<2x16384xf32, #tpu.memory_space<vmem>> -> memref<1x16384xf32, #tpu.memory_space<vmem>>
    %dma_start3A_74 = tpu.memref_squeeze %dma_start3A_73 : memref<1x16384xf32, #tpu.memory_space<vmem>> -> memref<16384xf32, #tpu.memory_space<vmem>>
    %dma_start3A_75 = tpu.memref_slice %arg4[%add3A_49] : memref<8388608xf32, #tpu.memory_space<hbm>> -> memref<16384xf32, #tpu.memory_space<hbm>>
    tpu.enqueue_dma source(%dma_start3A_75 : memref<16384xf32, #tpu.memory_space<hbm>>) target(%dma_start3A_74 : memref<16384xf32, #tpu.memory_space<vmem>>) target_semaphore(%arg18 : memref<!tpu.dma_semaphore, #tpu.memory_space<semaphore_mem>>)
    %scan3A = arith.constant 0 : i32
    %scan3A_76 = arith.constant 0 : i32
    %scan3A_77 = arith.constant 8 : i32
    %scan3A_78 = arith.addi %scan3A_76, %scan3A_77 : i32
    %scan3A_79 = arith.constant 1 : i32
    scf.for %scan3A_140 = %scan3A_76 to %scan3A_78 step %scan3A_79  : i32 {
      %mul3A_141 = arith.constant 2 : i32
      %mul3A_142 = arith.muli %scan3A_140, %mul3A_141 : i32
      %dma_wait3A = arith.constant 0 : i32
      %dma_wait3A_143 = arith.constant 0 : i32
      %dma_wait3A_144 = tpu.memref_slice %arg8[%dma_wait3A, %dma_wait3A_143] : memref<2x16384xi32, #tpu.memory_space<vmem>> -> memref<1x16384xi32, #tpu.memory_space<vmem>>
      %dma_wait3A_145 = tpu.memref_squeeze %dma_wait3A_144 : memref<1x16384xi32, #tpu.memory_space<vmem>> -> memref<16384xi32, #tpu.memory_space<vmem>>
      %dma_wait3A_146 = arith.constant 0 : i32
      %dma_wait3A_147 = tpu.memref_slice %arg2[%dma_wait3A_146] : memref<8388608xi32, #tpu.memory_space<hbm>> -> memref<16384xi32, #tpu.memory_space<hbm>>
      %dma_wait3A_148 = arith.constant 0 : i32
      %dma_wait3A_149 = tpu.memref_slice %arg8[%dma_wait3A, %dma_wait3A_148] : memref<2x16384xi32, #tpu.memory_space<vmem>> -> memref<1x16384xi32, #tpu.memory_space<vmem>>
      %dma_wait3A_150 = tpu.memref_squeeze %dma_wait3A_149 : memref<1x16384xi32, #tpu.memory_space<vmem>> -> memref<16384xi32, #tpu.memory_space<vmem>>
      %dma_wait3A_151 = arith.constant 0 : i32
      %dma_wait3A_152 = tpu.memref_slice %arg2[%dma_wait3A_151] : memref<8388608xi32, #tpu.memory_space<hbm>> -> memref<16384xi32, #tpu.memory_space<hbm>>
      tpu.wait_dma2 semaphore(%arg14 : memref<!tpu.dma_semaphore, #tpu.memory_space<semaphore_mem>>) src(%dma_wait3A_152 : memref<16384xi32, #tpu.memory_space<hbm>>) dst(%dma_wait3A_150 : memref<16384xi32, #tpu.memory_space<vmem>>)
      %dma_wait3A_153 = arith.constant 0 : i32
      %dma_wait3A_154 = arith.constant 0 : i32
      %dma_wait3A_155 = tpu.memref_slice %arg9[%dma_wait3A_153, %dma_wait3A_154] : memref<2x16384xi32, #tpu.memory_space<vmem>> -> memref<1x16384xi32, #tpu.memory_space<vmem>>
      %dma_wait3A_156 = tpu.memref_squeeze %dma_wait3A_155 : memref<1x16384xi32, #tpu.memory_space<vmem>> -> memref<16384xi32, #tpu.memory_space<vmem>>
      %dma_wait3A_157 = arith.constant 0 : i32
      %dma_wait3A_158 = tpu.memref_slice %arg3[%dma_wait3A_157] : memref<8388608xi32, #tpu.memory_space<hbm>> -> memref<16384xi32, #tpu.memory_space<hbm>>
      %dma_wait3A_159 = arith.constant 0 : i32
      %dma_wait3A_160 = tpu.memref_slice %arg9[%dma_wait3A_153, %dma_wait3A_159] : memref<2x16384xi32, #tpu.memory_space<vmem>> -> memref<1x16384xi32, #tpu.memory_space<vmem>>
      %dma_wait3A_161 = tpu.memref_squeeze %dma_wait3A_160 : memref<1x16384xi32, #tpu.memory_space<vmem>> -> memref<16384xi32, #tpu.memory_space<vmem>>
      %dma_wait3A_162 = arith.constant 0 : i32
      %dma_wait3A_163 = tpu.memref_slice %arg3[%dma_wait3A_162] : memref<8388608xi32, #tpu.memory_space<hbm>> -> memref<16384xi32, #tpu.memory_space<hbm>>
      tpu.wait_dma2 semaphore(%arg16 : memref<!tpu.dma_semaphore, #tpu.memory_space<semaphore_mem>>) src(%dma_wait3A_163 : memref<16384xi32, #tpu.memory_space<hbm>>) dst(%dma_wait3A_161 : memref<16384xi32, #tpu.memory_space<vmem>>)
      %dma_wait3A_164 = arith.constant 0 : i32
      %dma_wait3A_165 = arith.constant 0 : i32
      %dma_wait3A_166 = tpu.memref_slice %arg10[%dma_wait3A_164, %dma_wait3A_165] : memref<2x16384xf32, #tpu.memory_space<vmem>> -> memref<1x16384xf32, #tpu.memory_space<vmem>>
      %dma_wait3A_167 = tpu.memref_squeeze %dma_wait3A_166 : memref<1x16384xf32, #tpu.memory_space<vmem>> -> memref<16384xf32, #tpu.memory_space<vmem>>
      %dma_wait3A_168 = arith.constant 0 : i32
      %dma_wait3A_169 = tpu.memref_slice %arg4[%dma_wait3A_168] : memref<8388608xf32, #tpu.memory_space<hbm>> -> memref<16384xf32, #tpu.memory_space<hbm>>
      %dma_wait3A_170 = arith.constant 0 : i32
      %dma_wait3A_171 = tpu.memref_slice %arg10[%dma_wait3A_164, %dma_wait3A_170] : memref<2x16384xf32, #tpu.memory_space<vmem>> -> memref<1x16384xf32, #tpu.memory_space<vmem>>
      %dma_wait3A_172 = tpu.memref_squeeze %dma_wait3A_171 : memref<1x16384xf32, #tpu.memory_space<vmem>> -> memref<16384xf32, #tpu.memory_space<vmem>>
      %dma_wait3A_173 = arith.constant 0 : i32
      %dma_wait3A_174 = tpu.memref_slice %arg4[%dma_wait3A_173] : memref<8388608xf32, #tpu.memory_space<hbm>> -> memref<16384xf32, #tpu.memory_space<hbm>>
      tpu.wait_dma2 semaphore(%arg18 : memref<!tpu.dma_semaphore, #tpu.memory_space<semaphore_mem>>) src(%dma_wait3A_174 : memref<16384xf32, #tpu.memory_space<hbm>>) dst(%dma_wait3A_172 : memref<16384xf32, #tpu.memory_space<vmem>>)
      %add3A_175 = arith.constant 1 : i32
      %add3A_176 = arith.addi %mul3A_142, %add3A_175 : i32
      %lt3A = arith.constant 16 : i32
      %lt3A_177 = arith.cmpi slt, %add3A_176, %lt3A : i32
      %convert_element_type3A = arith.extui %lt3A_177 : i1 to i32
      %cond3A = arith.constant 0 : i32
      %cond3A_178 = arith.cmpi ne, %convert_element_type3A, %cond3A : i32
      scf.if %cond3A_178 {
        %add3A_228 = arith.constant 1 : i32
        %add3A_229 = arith.addi %mul3A_142, %add3A_228 : i32
        %mul3A_230 = arith.constant 16384 : i32
        %mul3A_231 = arith.muli %add3A_229, %mul3A_230 : i32
        %add3A_232 = arith.addi %mul3A_2, %mul3A_231 : i32
        %dma_start3A_233 = arith.constant 1 : i32
        %dma_start3A_234 = arith.constant 0 : i32
        %dma_start3A_235 = tpu.memref_slice %arg8[%dma_start3A_233, %dma_start3A_234] : memref<2x16384xi32, #tpu.memory_space<vmem>> -> memref<1x16384xi32, #tpu.memory_space<vmem>>
        %dma_start3A_236 = tpu.memref_squeeze %dma_start3A_235 : memref<1x16384xi32, #tpu.memory_space<vmem>> -> memref<16384xi32, #tpu.memory_space<vmem>>
        %dma_start3A_237 = tpu.memref_slice %arg2[%add3A_232] : memref<8388608xi32, #tpu.memory_space<hbm>> -> memref<16384xi32, #tpu.memory_space<hbm>>
        %dma_start3A_238 = arith.constant 0 : i32
        %dma_start3A_239 = tpu.memref_slice %arg8[%dma_start3A_233, %dma_start3A_238] : memref<2x16384xi32, #tpu.memory_space<vmem>> -> memref<1x16384xi32, #tpu.memory_space<vmem>>
        %dma_start3A_240 = tpu.memref_squeeze %dma_start3A_239 : memref<1x16384xi32, #tpu.memory_space<vmem>> -> memref<16384xi32, #tpu.memory_space<vmem>>
        %dma_start3A_241 = tpu.memref_slice %arg2[%add3A_232] : memref<8388608xi32, #tpu.memory_space<hbm>> -> memref<16384xi32, #tpu.memory_space<hbm>>
        tpu.enqueue_dma source(%dma_start3A_241 : memref<16384xi32, #tpu.memory_space<hbm>>) target(%dma_start3A_240 : memref<16384xi32, #tpu.memory_space<vmem>>) target_semaphore(%arg15 : memref<!tpu.dma_semaphore, #tpu.memory_space<semaphore_mem>>)
        %dma_start3A_242 = arith.constant 1 : i32
        %dma_start3A_243 = arith.constant 0 : i32
        %dma_start3A_244 = tpu.memref_slice %arg9[%dma_start3A_242, %dma_start3A_243] : memref<2x16384xi32, #tpu.memory_space<vmem>> -> memref<1x16384xi32, #tpu.memory_space<vmem>>
        %dma_start3A_245 = tpu.memref_squeeze %dma_start3A_244 : memref<1x16384xi32, #tpu.memory_space<vmem>> -> memref<16384xi32, #tpu.memory_space<vmem>>
        %dma_start3A_246 = tpu.memref_slice %arg3[%add3A_232] : memref<8388608xi32, #tpu.memory_space<hbm>> -> memref<16384xi32, #tpu.memory_space<hbm>>
        %dma_start3A_247 = arith.constant 0 : i32
        %dma_start3A_248 = tpu.memref_slice %arg9[%dma_start3A_242, %dma_start3A_247] : memref<2x16384xi32, #tpu.memory_space<vmem>> -> memref<1x16384xi32, #tpu.memory_space<vmem>>
        %dma_start3A_249 = tpu.memref_squeeze %dma_start3A_248 : memref<1x16384xi32, #tpu.memory_space<vmem>> -> memref<16384xi32, #tpu.memory_space<vmem>>
        %dma_start3A_250 = tpu.memref_slice %arg3[%add3A_232] : memref<8388608xi32, #tpu.memory_space<hbm>> -> memref<16384xi32, #tpu.memory_space<hbm>>
        tpu.enqueue_dma source(%dma_start3A_250 : memref<16384xi32, #tpu.memory_space<hbm>>) target(%dma_start3A_249 : memref<16384xi32, #tpu.memory_space<vmem>>) target_semaphore(%arg17 : memref<!tpu.dma_semaphore, #tpu.memory_space<semaphore_mem>>)
        %dma_start3A_251 = arith.constant 1 : i32
        %dma_start3A_252 = arith.constant 0 : i32
        %dma_start3A_253 = tpu.memref_slice %arg10[%dma_start3A_251, %dma_start3A_252] : memref<2x16384xf32, #tpu.memory_space<vmem>> -> memref<1x16384xf32, #tpu.memory_space<vmem>>
        %dma_start3A_254 = tpu.memref_squeeze %dma_start3A_253 : memref<1x16384xf32, #tpu.memory_space<vmem>> -> memref<16384xf32, #tpu.memory_space<vmem>>
        %dma_start3A_255 = tpu.memref_slice %arg4[%add3A_232] : memref<8388608xf32, #tpu.memory_space<hbm>> -> memref<16384xf32, #tpu.memory_space<hbm>>
        %dma_start3A_256 = arith.constant 0 : i32
        %dma_start3A_257 = tpu.memref_slice %arg10[%dma_start3A_251, %dma_start3A_256] : memref<2x16384xf32, #tpu.memory_space<vmem>> -> memref<1x16384xf32, #tpu.memory_space<vmem>>
        %dma_start3A_258 = tpu.memref_squeeze %dma_start3A_257 : memref<1x16384xf32, #tpu.memory_space<vmem>> -> memref<16384xf32, #tpu.memory_space<vmem>>
        %dma_start3A_259 = tpu.memref_slice %arg4[%add3A_232] : memref<8388608xf32, #tpu.memory_space<hbm>> -> memref<16384xf32, #tpu.memory_space<hbm>>
        tpu.enqueue_dma source(%dma_start3A_259 : memref<16384xf32, #tpu.memory_space<hbm>>) target(%dma_start3A_258 : memref<16384xf32, #tpu.memory_space<vmem>>) target_semaphore(%arg19 : memref<!tpu.dma_semaphore, #tpu.memory_space<semaphore_mem>>)
      } else {
      }
      %parallel_loop3A = arith.constant 0 : i32
      %parallel_loop3A_179 = arith.constant 1024 : i32
      %parallel_loop3A_180 = arith.constant 1 : i32
      scf.for %parallel_loop3A_228 = %parallel_loop3A to %parallel_loop3A_179 step %parallel_loop3A_180  : i32 {
        %parallel_loop3A_229 = arith.constant 16 : i32
        %parallel_loop3A_230 = arith.muli %parallel_loop3A_228, %parallel_loop3A_229 : i32
        %parallel_loop3A_231 = arith.constant 0 : i32
        %parallel_loop3A_232 = arith.index_cast %parallel_loop3A_231 : i32 to index
        %parallel_loop3A_233 = arith.index_cast %parallel_loop3A_230 : i32 to index
        %parallel_loop3A_234 = tpu.vector_load %arg8[%parallel_loop3A_232, %parallel_loop3A_233] {strides = array<i32>} : memref<2x16384xi32, #tpu.memory_space<vmem>>, vector<16xi32>,
        %parallel_loop3A_235 = arith.constant 0 : i32
        %parallel_loop3A_236 = arith.index_cast %parallel_loop3A_235 : i32 to index
        %parallel_loop3A_237 = arith.index_cast %parallel_loop3A_230 : i32 to index
        %parallel_loop3A_238 = tpu.vector_load %arg9[%parallel_loop3A_236, %parallel_loop3A_237] {strides = array<i32>} : memref<2x16384xi32, #tpu.memory_space<vmem>>, vector<16xi32>,
        %parallel_loop3A_239 = arith.constant 0 : i32
        %parallel_loop3A_240 = arith.index_cast %parallel_loop3A_239 : i32 to index
        %parallel_loop3A_241 = arith.index_cast %parallel_loop3A_230 : i32 to index
        %parallel_loop3A_242 = tpu.vector_load %arg10[%parallel_loop3A_240, %parallel_loop3A_241] {strides = array<i32>} : memref<2x16384xf32, #tpu.memory_space<vmem>>, vector<16xf32>,
        %parallel_loop3A_243 = arith.cmpi eq, %parallel_loop3A_234, %parallel_loop3A_238 : vector<16xi32>
        %parallel_loop3A_244 = arith.constant 65537 : i32
        %parallel_loop3A_245 = arith.constant 1 : i32
        %parallel_loop3A_246 = vector.broadcast %parallel_loop3A_244 : i32 to vector<16xi32>
        %parallel_loop3A_247 = vector.broadcast %parallel_loop3A_245 : i32 to vector<16xi32>
        %parallel_loop3A_248 = arith.select %parallel_loop3A_243, %parallel_loop3A_246, %parallel_loop3A_247 : vector<16xi1>, vector<16xi32>
        %parallel_loop3A_249 = arith.constant 1.000000e+01 : f32
        %parallel_loop3A_250 = vector.broadcast %parallel_loop3A_249 : f32 to vector<16xf32>
        %parallel_loop3A_251 = arith.mulf %parallel_loop3A_242, %parallel_loop3A_250 : vector<16xf32>
        %parallel_loop3A_252 = arith.fptosi %parallel_loop3A_251 : vector<16xf32> to vector<16xi32>
        %parallel_loop3A_253 = vector.shape_cast %parallel_loop3A_252 : vector<16xi32> to vector<16x1xi32>
        %parallel_loop3A_254 = vector.shape_cast %parallel_loop3A_253 : vector<16x1xi32> to vector<16xi32>
        %parallel_loop3A_255 = tpu.dynamic_gather %get3A_3[%parallel_loop3A_254] in [0] : vector<16xf32>, vector<16xi32> -> vector<16xf32>
        %parallel_loop3A_256 = vector.shape_cast %parallel_loop3A_252 : vector<16xi32> to vector<16x1xi32>
        %parallel_loop3A_257 = vector.shape_cast %parallel_loop3A_256 : vector<16x1xi32> to vector<16xi32>
        %parallel_loop3A_258 = tpu.dynamic_gather %get3A_5[%parallel_loop3A_257] in [0] : vector<16xf32>, vector<16xi32> -> vector<16xf32>
        %parallel_loop3A_259 = arith.cmpf ole, %parallel_loop3A_242, %parallel_loop3A_255 : vector<16xf32>
        %parallel_loop3A_260 = arith.constant 1 : i32
        %parallel_loop3A_261 = arith.constant 0 : i32
        %parallel_loop3A_262 = vector.broadcast %parallel_loop3A_260 : i32 to vector<16xi32>
        %parallel_loop3A_263 = vector.broadcast %parallel_loop3A_261 : i32 to vector<16xi32>
        %parallel_loop3A_264 = arith.select %parallel_loop3A_259, %parallel_loop3A_262, %parallel_loop3A_263 : vector<16xi1>, vector<16xi32>
        %parallel_loop3A_265 = arith.subi %parallel_loop3A_252, %parallel_loop3A_264 : vector<16xi32>
        %parallel_loop3A_266 = arith.cmpf ogt, %parallel_loop3A_242, %parallel_loop3A_258 : vector<16xf32>
        %parallel_loop3A_267 = arith.constant 1 : i32
        %parallel_loop3A_268 = arith.constant 0 : i32
        %parallel_loop3A_269 = vector.broadcast %parallel_loop3A_267 : i32 to vector<16xi32>
        %parallel_loop3A_270 = vector.broadcast %parallel_loop3A_268 : i32 to vector<16xi32>
        %parallel_loop3A_271 = arith.select %parallel_loop3A_266, %parallel_loop3A_269, %parallel_loop3A_270 : vector<16xi1>, vector<16xi32>
        %parallel_loop3A_272 = arith.addi %parallel_loop3A_265, %parallel_loop3A_271 : vector<16xi32>
        %parallel_loop3A_273 = arith.constant 16 : i32
        %parallel_loop3A_274 = vector.broadcast %parallel_loop3A_273 : i32 to vector<16xi32>
        %parallel_loop3A_275 = arith.muli %parallel_loop3A_272, %parallel_loop3A_274 : vector<16xi32>
        %parallel_loop3A_276 = arith.addi %parallel_loop3A_275, %iota3A : vector<16xi32>
        tpu.vector_store_idx %arg12[%parallel_loop3A_276], %parallel_loop3A_248 {add = true} : memref<160xi32, #tpu.memory_space<vmem>>[vector<16xi32>], vector<16xi32>,
        tpu.vector_store_idx %arg13[%parallel_loop3A_276], %parallel_loop3A_242 {add = true} : memref<160xf32, #tpu.memory_space<vmem>>[vector<16xi32>], vector<16xf32>,
      } {sc.loop_unroll_factor = 8 : i64, sc.parallel_access}
      %mul3A_181 = arith.constant 2 : i32
      %mul3A_182 = arith.muli %scan3A_140, %mul3A_181 : i32
      %add3A_183 = arith.constant 1 : i32
      %add3A_184 = arith.addi %mul3A_182, %add3A_183 : i32
      %dma_wait3A_185 = arith.constant 1 : i32
      %dma_wait3A_186 = arith.constant 0 : i32
      %dma_wait3A_187 = tpu.memref_slice %arg8[%dma_wait3A_185, %dma_wait3A_186] : memref<2x16384xi32, #tpu.memory_space<vmem>> -> memref<1x16384xi32, #tpu.memory_space<vmem>>
      %dma_wait3A_188 = tpu.memref_squeeze %dma_wait3A_187 : memref<1x16384xi32, #tpu.memory_space<vmem>> -> memref<16384xi32, #tpu.memory_space<vmem>>
      %dma_wait3A_189 = arith.constant 0 : i32
      %dma_wait3A_190 = tpu.memref_slice %arg2[%dma_wait3A_189] : memref<8388608xi32, #tpu.memory_space<hbm>> -> memref<16384xi32, #tpu.memory_space<hbm>>
      %dma_wait3A_191 = arith.constant 0 : i32
      %dma_wait3A_192 = tpu.memref_slice %arg8[%dma_wait3A_185, %dma_wait3A_191] : memref<2x16384xi32, #tpu.memory_space<vmem>> -> memref<1x16384xi32, #tpu.memory_space<vmem>>
      %dma_wait3A_193 = tpu.memref_squeeze %dma_wait3A_192 : memref<1x16384xi32, #tpu.memory_space<vmem>> -> memref<16384xi32, #tpu.memory_space<vmem>>
      %dma_wait3A_194 = arith.constant 0 : i32
      %dma_wait3A_195 = tpu.memref_slice %arg2[%dma_wait3A_194] : memref<8388608xi32, #tpu.memory_space<hbm>> -> memref<16384xi32, #tpu.memory_space<hbm>>
      tpu.wait_dma2 semaphore(%arg15 : memref<!tpu.dma_semaphore, #tpu.memory_space<semaphore_mem>>) src(%dma_wait3A_195 : memref<16384xi32, #tpu.memory_space<hbm>>) dst(%dma_wait3A_193 : memref<16384xi32, #tpu.memory_space<vmem>>)
      %dma_wait3A_196 = arith.constant 1 : i32
      %dma_wait3A_197 = arith.constant 0 : i32
      %dma_wait3A_198 = tpu.memref_slice %arg9[%dma_wait3A_196, %dma_wait3A_197] : memref<2x16384xi32, #tpu.memory_space<vmem>> -> memref<1x16384xi32, #tpu.memory_space<vmem>>
      %dma_wait3A_199 = tpu.memref_squeeze %dma_wait3A_198 : memref<1x16384xi32, #tpu.memory_space<vmem>> -> memref<16384xi32, #tpu.memory_space<vmem>>
      %dma_wait3A_200 = arith.constant 0 : i32
      %dma_wait3A_201 = tpu.memref_slice %arg3[%dma_wait3A_200] : memref<8388608xi32, #tpu.memory_space<hbm>> -> memref<16384xi32, #tpu.memory_space<hbm>>
      %dma_wait3A_202 = arith.constant 0 : i32
      %dma_wait3A_203 = tpu.memref_slice %arg9[%dma_wait3A_196, %dma_wait3A_202] : memref<2x16384xi32, #tpu.memory_space<vmem>> -> memref<1x16384xi32, #tpu.memory_space<vmem>>
      %dma_wait3A_204 = tpu.memref_squeeze %dma_wait3A_203 : memref<1x16384xi32, #tpu.memory_space<vmem>> -> memref<16384xi32, #tpu.memory_space<vmem>>
      %dma_wait3A_205 = arith.constant 0 : i32
      %dma_wait3A_206 = tpu.memref_slice %arg3[%dma_wait3A_205] : memref<8388608xi32, #tpu.memory_space<hbm>> -> memref<16384xi32, #tpu.memory_space<hbm>>
      tpu.wait_dma2 semaphore(%arg17 : memref<!tpu.dma_semaphore, #tpu.memory_space<semaphore_mem>>) src(%dma_wait3A_206 : memref<16384xi32, #tpu.memory_space<hbm>>) dst(%dma_wait3A_204 : memref<16384xi32, #tpu.memory_space<vmem>>)
      %dma_wait3A_207 = arith.constant 1 : i32
      %dma_wait3A_208 = arith.constant 0 : i32
      %dma_wait3A_209 = tpu.memref_slice %arg10[%dma_wait3A_207, %dma_wait3A_208] : memref<2x16384xf32, #tpu.memory_space<vmem>> -> memref<1x16384xf32, #tpu.memory_space<vmem>>
      %dma_wait3A_210 = tpu.memref_squeeze %dma_wait3A_209 : memref<1x16384xf32, #tpu.memory_space<vmem>> -> memref<16384xf32, #tpu.memory_space<vmem>>
      %dma_wait3A_211 = arith.constant 0 : i32
      %dma_wait3A_212 = tpu.memref_slice %arg4[%dma_wait3A_211] : memref<8388608xf32, #tpu.memory_space<hbm>> -> memref<16384xf32, #tpu.memory_space<hbm>>
      %dma_wait3A_213 = arith.constant 0 : i32
      %dma_wait3A_214 = tpu.memref_slice %arg10[%dma_wait3A_207, %dma_wait3A_213] : memref<2x16384xf32, #tpu.memory_space<vmem>> -> memref<1x16384xf32, #tpu.memory_space<vmem>>
      %dma_wait3A_215 = tpu.memref_squeeze %dma_wait3A_214 : memref<1x16384xf32, #tpu.memory_space<vmem>> -> memref<16384xf32, #tpu.memory_space<vmem>>
      %dma_wait3A_216 = arith.constant 0 : i32
      %dma_wait3A_217 = tpu.memref_slice %arg4[%dma_wait3A_216] : memref<8388608xf32, #tpu.memory_space<hbm>> -> memref<16384xf32, #tpu.memory_space<hbm>>
      tpu.wait_dma2 semaphore(%arg19 : memref<!tpu.dma_semaphore, #tpu.memory_space<semaphore_mem>>) src(%dma_wait3A_217 : memref<16384xf32, #tpu.memory_space<hbm>>) dst(%dma_wait3A_215 : memref<16384xf32, #tpu.memory_space<vmem>>)
      %add3A_218 = arith.constant 1 : i32
      %add3A_219 = arith.addi %add3A_184, %add3A_218 : i32
      %lt3A_220 = arith.constant 16 : i32
      %lt3A_221 = arith.cmpi slt, %add3A_219, %lt3A_220 : i32
      %convert_element_type3A_222 = arith.extui %lt3A_221 : i1 to i32
      %cond3A_223 = arith.constant 0 : i32
      %cond3A_224 = arith.cmpi ne, %convert_element_type3A_222, %cond3A_223 : i32
      scf.if %cond3A_224 {
        %add3A_228 = arith.constant 1 : i32
        %add3A_229 = arith.addi %add3A_184, %add3A_228 : i32
        %mul3A_230 = arith.constant 16384 : i32
        %mul3A_231 = arith.muli %add3A_229, %mul3A_230 : i32
        %add3A_232 = arith.addi %mul3A_2, %mul3A_231 : i32
        %dma_start3A_233 = arith.constant 0 : i32
        %dma_start3A_234 = arith.constant 0 : i32
        %dma_start3A_235 = tpu.memref_slice %arg8[%dma_start3A_233, %dma_start3A_234] : memref<2x16384xi32, #tpu.memory_space<vmem>> -> memref<1x16384xi32, #tpu.memory_space<vmem>>
        %dma_start3A_236 = tpu.memref_squeeze %dma_start3A_235 : memref<1x16384xi32, #tpu.memory_space<vmem>> -> memref<16384xi32, #tpu.memory_space<vmem>>
        %dma_start3A_237 = tpu.memref_slice %arg2[%add3A_232] : memref<8388608xi32, #tpu.memory_space<hbm>> -> memref<16384xi32, #tpu.memory_space<hbm>>
        %dma_start3A_238 = arith.constant 0 : i32
        %dma_start3A_239 = tpu.memref_slice %arg8[%dma_start3A_233, %dma_start3A_238] : memref<2x16384xi32, #tpu.memory_space<vmem>> -> memref<1x16384xi32, #tpu.memory_space<vmem>>
        %dma_start3A_240 = tpu.memref_squeeze %dma_start3A_239 : memref<1x16384xi32, #tpu.memory_space<vmem>> -> memref<16384xi32, #tpu.memory_space<vmem>>
        %dma_start3A_241 = tpu.memref_slice %arg2[%add3A_232] : memref<8388608xi32, #tpu.memory_space<hbm>> -> memref<16384xi32, #tpu.memory_space<hbm>>
        tpu.enqueue_dma source(%dma_start3A_241 : memref<16384xi32, #tpu.memory_space<hbm>>) target(%dma_start3A_240 : memref<16384xi32, #tpu.memory_space<vmem>>) target_semaphore(%arg14 : memref<!tpu.dma_semaphore, #tpu.memory_space<semaphore_mem>>)
        %dma_start3A_242 = arith.constant 0 : i32
        %dma_start3A_243 = arith.constant 0 : i32
        %dma_start3A_244 = tpu.memref_slice %arg9[%dma_start3A_242, %dma_start3A_243] : memref<2x16384xi32, #tpu.memory_space<vmem>> -> memref<1x16384xi32, #tpu.memory_space<vmem>>
        %dma_start3A_245 = tpu.memref_squeeze %dma_start3A_244 : memref<1x16384xi32, #tpu.memory_space<vmem>> -> memref<16384xi32, #tpu.memory_space<vmem>>
        %dma_start3A_246 = tpu.memref_slice %arg3[%add3A_232] : memref<8388608xi32, #tpu.memory_space<hbm>> -> memref<16384xi32, #tpu.memory_space<hbm>>
        %dma_start3A_247 = arith.constant 0 : i32
        %dma_start3A_248 = tpu.memref_slice %arg9[%dma_start3A_242, %dma_start3A_247] : memref<2x16384xi32, #tpu.memory_space<vmem>> -> memref<1x16384xi32, #tpu.memory_space<vmem>>
        %dma_start3A_249 = tpu.memref_squeeze %dma_start3A_248 : memref<1x16384xi32, #tpu.memory_space<vmem>> -> memref<16384xi32, #tpu.memory_space<vmem>>
        %dma_start3A_250 = tpu.memref_slice %arg3[%add3A_232] : memref<8388608xi32, #tpu.memory_space<hbm>> -> memref<16384xi32, #tpu.memory_space<hbm>>
        tpu.enqueue_dma source(%dma_start3A_250 : memref<16384xi32, #tpu.memory_space<hbm>>) target(%dma_start3A_249 : memref<16384xi32, #tpu.memory_space<vmem>>) target_semaphore(%arg16 : memref<!tpu.dma_semaphore, #tpu.memory_space<semaphore_mem>>)
        %dma_start3A_251 = arith.constant 0 : i32
        %dma_start3A_252 = arith.constant 0 : i32
        %dma_start3A_253 = tpu.memref_slice %arg10[%dma_start3A_251, %dma_start3A_252] : memref<2x16384xf32, #tpu.memory_space<vmem>> -> memref<1x16384xf32, #tpu.memory_space<vmem>>
        %dma_start3A_254 = tpu.memref_squeeze %dma_start3A_253 : memref<1x16384xf32, #tpu.memory_space<vmem>> -> memref<16384xf32, #tpu.memory_space<vmem>>
        %dma_start3A_255 = tpu.memref_slice %arg4[%add3A_232] : memref<8388608xf32, #tpu.memory_space<hbm>> -> memref<16384xf32, #tpu.memory_space<hbm>>
        %dma_start3A_256 = arith.constant 0 : i32
        %dma_start3A_257 = tpu.memref_slice %arg10[%dma_start3A_251, %dma_start3A_256] : memref<2x16384xf32, #tpu.memory_space<vmem>> -> memref<1x16384xf32, #tpu.memory_space<vmem>>
        %dma_start3A_258 = tpu.memref_squeeze %dma_start3A_257 : memref<1x16384xf32, #tpu.memory_space<vmem>> -> memref<16384xf32, #tpu.memory_space<vmem>>
        %dma_start3A_259 = tpu.memref_slice %arg4[%add3A_232] : memref<8388608xf32, #tpu.memory_space<hbm>> -> memref<16384xf32, #tpu.memory_space<hbm>>
        tpu.enqueue_dma source(%dma_start3A_259 : memref<16384xf32, #tpu.memory_space<hbm>>) target(%dma_start3A_258 : memref<16384xf32, #tpu.memory_space<vmem>>) target_semaphore(%arg18 : memref<!tpu.dma_semaphore, #tpu.memory_space<semaphore_mem>>)
      } else {
      }
      %parallel_loop3A_225 = arith.constant 0 : i32
      %parallel_loop3A_226 = arith.constant 1024 : i32
      %parallel_loop3A_227 = arith.constant 1 : i32
      scf.for %parallel_loop3A_228 = %parallel_loop3A_225 to %parallel_loop3A_226 step %parallel_loop3A_227  : i32 {
        %parallel_loop3A_229 = arith.constant 16 : i32
        %parallel_loop3A_230 = arith.muli %parallel_loop3A_228, %parallel_loop3A_229 : i32
        %parallel_loop3A_231 = arith.constant 1 : i32
        %parallel_loop3A_232 = arith.index_cast %parallel_loop3A_231 : i32 to index
        %parallel_loop3A_233 = arith.index_cast %parallel_loop3A_230 : i32 to index
        %parallel_loop3A_234 = tpu.vector_load %arg8[%parallel_loop3A_232, %parallel_loop3A_233] {strides = array<i32>} : memref<2x16384xi32, #tpu.memory_space<vmem>>, vector<16xi32>,
        %parallel_loop3A_235 = arith.constant 1 : i32
        %parallel_loop3A_236 = arith.index_cast %parallel_loop3A_235 : i32 to index
        %parallel_loop3A_237 = arith.index_cast %parallel_loop3A_230 : i32 to index
        %parallel_loop3A_238 = tpu.vector_load %arg9[%parallel_loop3A_236, %parallel_loop3A_237] {strides = array<i32>} : memref<2x16384xi32, #tpu.memory_space<vmem>>, vector<16xi32>,
        %parallel_loop3A_239 = arith.constant 1 : i32
        %parallel_loop3A_240 = arith.index_cast %parallel_loop3A_239 : i32 to index
        %parallel_loop3A_241 = arith.index_cast %parallel_loop3A_230 : i32 to index
        %parallel_loop3A_242 = tpu.vector_load %arg10[%parallel_loop3A_240, %parallel_loop3A_241] {strides = array<i32>} : memref<2x16384xf32, #tpu.memory_space<vmem>>, vector<16xf32>,
        %parallel_loop3A_243 = arith.cmpi eq, %parallel_loop3A_234, %parallel_loop3A_238 : vector<16xi32>
        %parallel_loop3A_244 = arith.constant 65537 : i32
        %parallel_loop3A_245 = arith.constant 1 : i32
        %parallel_loop3A_246 = vector.broadcast %parallel_loop3A_244 : i32 to vector<16xi32>
        %parallel_loop3A_247 = vector.broadcast %parallel_loop3A_245 : i32 to vector<16xi32>
        %parallel_loop3A_248 = arith.select %parallel_loop3A_243, %parallel_loop3A_246, %parallel_loop3A_247 : vector<16xi1>, vector<16xi32>
        %parallel_loop3A_249 = arith.constant 1.000000e+01 : f32
        %parallel_loop3A_250 = vector.broadcast %parallel_loop3A_249 : f32 to vector<16xf32>
        %parallel_loop3A_251 = arith.mulf %parallel_loop3A_242, %parallel_loop3A_250 : vector<16xf32>
        %parallel_loop3A_252 = arith.fptosi %parallel_loop3A_251 : vector<16xf32> to vector<16xi32>
        %parallel_loop3A_253 = vector.shape_cast %parallel_loop3A_252 : vector<16xi32> to vector<16x1xi32>
        %parallel_loop3A_254 = vector.shape_cast %parallel_loop3A_253 : vector<16x1xi32> to vector<16xi32>
        %parallel_loop3A_255 = tpu.dynamic_gather %get3A_3[%parallel_loop3A_254] in [0] : vector<16xf32>, vector<16xi32> -> vector<16xf32>
        %parallel_loop3A_256 = vector.shape_cast %parallel_loop3A_252 : vector<16xi32> to vector<16x1xi32>
        %parallel_loop3A_257 = vector.shape_cast %parallel_loop3A_256 : vector<16x1xi32> to vector<16xi32>
        %parallel_loop3A_258 = tpu.dynamic_gather %get3A_5[%parallel_loop3A_257] in [0] : vector<16xf32>, vector<16xi32> -> vector<16xf32>
        %parallel_loop3A_259 = arith.cmpf ole, %parallel_loop3A_242, %parallel_loop3A_255 : vector<16xf32>
        %parallel_loop3A_260 = arith.constant 1 : i32
        %parallel_loop3A_261 = arith.constant 0 : i32
        %parallel_loop3A_262 = vector.broadcast %parallel_loop3A_260 : i32 to vector<16xi32>
        %parallel_loop3A_263 = vector.broadcast %parallel_loop3A_261 : i32 to vector<16xi32>
        %parallel_loop3A_264 = arith.select %parallel_loop3A_259, %parallel_loop3A_262, %parallel_loop3A_263 : vector<16xi1>, vector<16xi32>
        %parallel_loop3A_265 = arith.subi %parallel_loop3A_252, %parallel_loop3A_264 : vector<16xi32>
        %parallel_loop3A_266 = arith.cmpf ogt, %parallel_loop3A_242, %parallel_loop3A_258 : vector<16xf32>
        %parallel_loop3A_267 = arith.constant 1 : i32
        %parallel_loop3A_268 = arith.constant 0 : i32
        %parallel_loop3A_269 = vector.broadcast %parallel_loop3A_267 : i32 to vector<16xi32>
        %parallel_loop3A_270 = vector.broadcast %parallel_loop3A_268 : i32 to vector<16xi32>
        %parallel_loop3A_271 = arith.select %parallel_loop3A_266, %parallel_loop3A_269, %parallel_loop3A_270 : vector<16xi1>, vector<16xi32>
        %parallel_loop3A_272 = arith.addi %parallel_loop3A_265, %parallel_loop3A_271 : vector<16xi32>
        %parallel_loop3A_273 = arith.constant 16 : i32
        %parallel_loop3A_274 = vector.broadcast %parallel_loop3A_273 : i32 to vector<16xi32>
        %parallel_loop3A_275 = arith.muli %parallel_loop3A_272, %parallel_loop3A_274 : vector<16xi32>
        %parallel_loop3A_276 = arith.addi %parallel_loop3A_275, %iota3A : vector<16xi32>
        tpu.vector_store_idx %arg12[%parallel_loop3A_276], %parallel_loop3A_248 {add = true} : memref<160xi32, #tpu.memory_space<vmem>>[vector<16xi32>], vector<16xi32>,
        tpu.vector_store_idx %arg13[%parallel_loop3A_276], %parallel_loop3A_242 {add = true} : memref<160xf32, #tpu.memory_space<vmem>>[vector<16xi32>], vector<16xf32>,
      } {sc.loop_unroll_factor = 8 : i64, sc.parallel_access}
    }
    %scan3A_80 = arith.constant 8 : i32
    %mul3A_81 = arith.constant 16 : i32
    %mul3A_82 = arith.muli %add3A, %mul3A_81 : i32
    %run_scoped3A = arith.constant 0 : i32
    "tpu.region"() ({
      %run_scoped3A_140 = tpu.sem_alloc : memref<!tpu.dma_semaphore, #tpu.memory_space<semaphore_mem>>
      %dma_start3A_141 = arith.constant 0 : i32
      %dma_start3A_142 = tpu.memref_slice %arg12[%dma_start3A_141] : memref<160xi32, #tpu.memory_space<vmem>> -> memref<16xi32, #tpu.memory_space<vmem>>
      %dma_start3A_143 = tpu.memref_slice %arg6[%run_scoped3A, %mul3A_82] : memref<10x512xi32, #tpu.memory_space<hbm>> -> memref<1x16xi32, #tpu.memory_space<hbm>>
      %dma_start3A_144 = tpu.memref_squeeze %dma_start3A_143 : memref<1x16xi32, #tpu.memory_space<hbm>> -> memref<16xi32, #tpu.memory_space<hbm>>
      %dma_start3A_145 = tpu.memref_slice %arg6[%run_scoped3A, %mul3A_82] : memref<10x512xi32, #tpu.memory_space<hbm>> -> memref<1x16xi32, #tpu.memory_space<hbm>>
      %dma_start3A_146 = tpu.memref_squeeze %dma_start3A_145 : memref<1x16xi32, #tpu.memory_space<hbm>> -> memref<16xi32, #tpu.memory_space<hbm>>
      %dma_start3A_147 = arith.constant 0 : i32
      %dma_start3A_148 = tpu.memref_slice %arg12[%dma_start3A_147] : memref<160xi32, #tpu.memory_space<vmem>> -> memref<16xi32, #tpu.memory_space<vmem>>
      tpu.enqueue_dma source(%dma_start3A_148 : memref<16xi32, #tpu.memory_space<vmem>>) target(%dma_start3A_146 : memref<16xi32, #tpu.memory_space<hbm>>) target_semaphore(%run_scoped3A_140 : memref<!tpu.dma_semaphore, #tpu.memory_space<semaphore_mem>>)
      %dma_wait3A = arith.constant 0 : i32
      %dma_wait3A_149 = tpu.memref_slice %arg12[%dma_wait3A] : memref<160xi32, #tpu.memory_space<vmem>> -> memref<16xi32, #tpu.memory_space<vmem>>
      %dma_wait3A_150 = tpu.memref_slice %arg6[%run_scoped3A, %mul3A_82] : memref<10x512xi32, #tpu.memory_space<hbm>> -> memref<1x16xi32, #tpu.memory_space<hbm>>
      %dma_wait3A_151 = tpu.memref_squeeze %dma_wait3A_150 : memref<1x16xi32, #tpu.memory_space<hbm>> -> memref<16xi32, #tpu.memory_space<hbm>>
      %dma_wait3A_152 = tpu.memref_slice %arg6[%run_scoped3A, %mul3A_82] : memref<10x512xi32, #tpu.memory_space<hbm>> -> memref<1x16xi32, #tpu.memory_space<hbm>>
      %dma_wait3A_153 = tpu.memref_squeeze %dma_wait3A_152 : memref<1x16xi32, #tpu.memory_space<hbm>> -> memref<16xi32, #tpu.memory_space<hbm>>
      %dma_wait3A_154 = arith.constant 0 : i32
      %dma_wait3A_155 = tpu.memref_slice %arg12[%dma_wait3A_154] : memref<160xi32, #tpu.memory_space<vmem>> -> memref<16xi32, #tpu.memory_space<vmem>>
      tpu.wait_dma2 semaphore(%run_scoped3A_140 : memref<!tpu.dma_semaphore, #tpu.memory_space<semaphore_mem>>) src(%dma_wait3A_155 : memref<16xi32, #tpu.memory_space<vmem>>) dst(%dma_wait3A_153 : memref<16xi32, #tpu.memory_space<hbm>>)
      tpu.yield
    }) : () -> ()
    %mul3A_83 = arith.constant 16 : i32
    %mul3A_84 = arith.muli %add3A, %mul3A_83 : i32
    %run_scoped3A_85 = arith.constant 0 : i32
    "tpu.region"() ({
      %run_scoped3A_140 = tpu.sem_alloc : memref<!tpu.dma_semaphore, #tpu.memory_space<semaphore_mem>>
      %dma_start3A_141 = arith.constant 0 : i32
      %dma_start3A_142 = tpu.memref_slice %arg13[%dma_start3A_141] : memref<160xf32, #tpu.memory_space<vmem>> -> memref<16xf32, #tpu.memory_space<vmem>>
      %dma_start3A_143 = tpu.memref_slice %arg7[%run_scoped3A_85, %mul3A_84] : memref<10x512xf32, #tpu.memory_space<hbm>> -> memref<1x16xf32, #tpu.memory_space<hbm>>
      %dma_start3A_144 = tpu.memref_squeeze %dma_start3A_143 : memref<1x16xf32, #tpu.memory_space<hbm>> -> memref<16xf32, #tpu.memory_space<hbm>>
      %dma_start3A_145 = tpu.memref_slice %arg7[%run_scoped3A_85, %mul3A_84] : memref<10x512xf32, #tpu.memory_space<hbm>> -> memref<1x16xf32, #tpu.memory_space<hbm>>
      %dma_start3A_146 = tpu.memref_squeeze %dma_start3A_145 : memref<1x16xf32, #tpu.memory_space<hbm>> -> memref<16xf32, #tpu.memory_space<hbm>>
      %dma_start3A_147 = arith.constant 0 : i32
      %dma_start3A_148 = tpu.memref_slice %arg13[%dma_start3A_147] : memref<160xf32, #tpu.memory_space<vmem>> -> memref<16xf32, #tpu.memory_space<vmem>>
      tpu.enqueue_dma source(%dma_start3A_148 : memref<16xf32, #tpu.memory_space<vmem>>) target(%dma_start3A_146 : memref<16xf32, #tpu.memory_space<hbm>>) target_semaphore(%run_scoped3A_140 : memref<!tpu.dma_semaphore, #tpu.memory_space<semaphore_mem>>)
      %dma_wait3A = arith.constant 0 : i32
      %dma_wait3A_149 = tpu.memref_slice %arg13[%dma_wait3A] : memref<160xf32, #tpu.memory_space<vmem>> -> memref<16xf32, #tpu.memory_space<vmem>>
      %dma_wait3A_150 = tpu.memref_slice %arg7[%run_scoped3A_85, %mul3A_84] : memref<10x512xf32, #tpu.memory_space<hbm>> -> memref<1x16xf32, #tpu.memory_space<hbm>>
      %dma_wait3A_151 = tpu.memref_squeeze %dma_wait3A_150 : memref<1x16xf32, #tpu.memory_space<hbm>> -> memref<16xf32, #tpu.memory_space<hbm>>
      %dma_wait3A_152 = tpu.memref_slice %arg7[%run_scoped3A_85, %mul3A_84] : memref<10x512xf32, #tpu.memory_space<hbm>> -> memref<1x16xf32, #tpu.memory_space<hbm>>
      %dma_wait3A_153 = tpu.memref_squeeze %dma_wait3A_152 : memref<1x16xf32, #tpu.memory_space<hbm>> -> memref<16xf32, #tpu.memory_space<hbm>>
      %dma_wait3A_154 = arith.constant 0 : i32
      %dma_wait3A_155 = tpu.memref_slice %arg13[%dma_wait3A_154] : memref<160xf32, #tpu.memory_space<vmem>> -> memref<16xf32, #tpu.memory_space<vmem>>
      tpu.wait_dma2 semaphore(%run_scoped3A_140 : memref<!tpu.dma_semaphore, #tpu.memory_space<semaphore_mem>>) src(%dma_wait3A_155 : memref<16xf32, #tpu.memory_space<vmem>>) dst(%dma_wait3A_153 : memref<16xf32, #tpu.memory_space<hbm>>)
      tpu.yield
    }) : () -> ()
    %mul3A_86 = arith.constant 16 : i32
    %mul3A_87 = arith.muli %add3A, %mul3A_86 : i32
    %run_scoped3A_88 = arith.constant 1 : i32
    "tpu.region"() ({
      %run_scoped3A_140 = tpu.sem_alloc : memref<!tpu.dma_semaphore, #tpu.memory_space<semaphore_mem>>
      %dma_start3A_141 = arith.constant 16 : i32
      %dma_start3A_142 = tpu.memref_slice %arg12[%dma_start3A_141] : memref<160xi32, #tpu.memory_space<vmem>> -> memref<16xi32, #tpu.memory_space<vmem>>
      %dma_start3A_143 = tpu.memref_slice %arg6[%run_scoped3A_88, %mul3A_87] : memref<10x512xi32, #tpu.memory_space<hbm>> -> memref<1x16xi32, #tpu.memory_space<hbm>>
      %dma_start3A_144 = tpu.memref_squeeze %dma_start3A_143 : memref<1x16xi32, #tpu.memory_space<hbm>> -> memref<16xi32, #tpu.memory_space<hbm>>
      %dma_start3A_145 = tpu.memref_slice %arg6[%run_scoped3A_88, %mul3A_87] : memref<10x512xi32, #tpu.memory_space<hbm>> -> memref<1x16xi32, #tpu.memory_space<hbm>>
      %dma_start3A_146 = tpu.memref_squeeze %dma_start3A_145 : memref<1x16xi32, #tpu.memory_space<hbm>> -> memref<16xi32, #tpu.memory_space<hbm>>
      %dma_start3A_147 = arith.constant 16 : i32
      %dma_start3A_148 = tpu.memref_slice %arg12[%dma_start3A_147] : memref<160xi32, #tpu.memory_space<vmem>> -> memref<16xi32, #tpu.memory_space<vmem>>
      tpu.enqueue_dma source(%dma_start3A_148 : memref<16xi32, #tpu.memory_space<vmem>>) target(%dma_start3A_146 : memref<16xi32, #tpu.memory_space<hbm>>) target_semaphore(%run_scoped3A_140 : memref<!tpu.dma_semaphore, #tpu.memory_space<semaphore_mem>>)
      %dma_wait3A = arith.constant 16 : i32
      %dma_wait3A_149 = tpu.memref_slice %arg12[%dma_wait3A] : memref<160xi32, #tpu.memory_space<vmem>> -> memref<16xi32, #tpu.memory_space<vmem>>
      %dma_wait3A_150 = tpu.memref_slice %arg6[%run_scoped3A_88, %mul3A_87] : memref<10x512xi32, #tpu.memory_space<hbm>> -> memref<1x16xi32, #tpu.memory_space<hbm>>
      %dma_wait3A_151 = tpu.memref_squeeze %dma_wait3A_150 : memref<1x16xi32, #tpu.memory_space<hbm>> -> memref<16xi32, #tpu.memory_space<hbm>>
      %dma_wait3A_152 = tpu.memref_slice %arg6[%run_scoped3A_88, %mul3A_87] : memref<10x512xi32, #tpu.memory_space<hbm>> -> memref<1x16xi32, #tpu.memory_space<hbm>>
      %dma_wait3A_153 = tpu.memref_squeeze %dma_wait3A_152 : memref<1x16xi32, #tpu.memory_space<hbm>> -> memref<16xi32, #tpu.memory_space<hbm>>
      %dma_wait3A_154 = arith.constant 16 : i32
      %dma_wait3A_155 = tpu.memref_slice %arg12[%dma_wait3A_154] : memref<160xi32, #tpu.memory_space<vmem>> -> memref<16xi32, #tpu.memory_space<vmem>>
      tpu.wait_dma2 semaphore(%run_scoped3A_140 : memref<!tpu.dma_semaphore, #tpu.memory_space<semaphore_mem>>) src(%dma_wait3A_155 : memref<16xi32, #tpu.memory_space<vmem>>) dst(%dma_wait3A_153 : memref<16xi32, #tpu.memory_space<hbm>>)
      tpu.yield
    }) : () -> ()
    %mul3A_89 = arith.constant 16 : i32
    %mul3A_90 = arith.muli %add3A, %mul3A_89 : i32
    %run_scoped3A_91 = arith.constant 1 : i32
    "tpu.region"() ({
      %run_scoped3A_140 = tpu.sem_alloc : memref<!tpu.dma_semaphore, #tpu.memory_space<semaphore_mem>>
      %dma_start3A_141 = arith.constant 16 : i32
      %dma_start3A_142 = tpu.memref_slice %arg13[%dma_start3A_141] : memref<160xf32, #tpu.memory_space<vmem>> -> memref<16xf32, #tpu.memory_space<vmem>>
      %dma_start3A_143 = tpu.memref_slice %arg7[%run_scoped3A_91, %mul3A_90] : memref<10x512xf32, #tpu.memory_space<hbm>> -> memref<1x16xf32, #tpu.memory_space<hbm>>
      %dma_start3A_144 = tpu.memref_squeeze %dma_start3A_143 : memref<1x16xf32, #tpu.memory_space<hbm>> -> memref<16xf32, #tpu.memory_space<hbm>>
      %dma_start3A_145 = tpu.memref_slice %arg7[%run_scoped3A_91, %mul3A_90] : memref<10x512xf32, #tpu.memory_space<hbm>> -> memref<1x16xf32, #tpu.memory_space<hbm>>
      %dma_start3A_146 = tpu.memref_squeeze %dma_start3A_145 : memref<1x16xf32, #tpu.memory_space<hbm>> -> memref<16xf32, #tpu.memory_space<hbm>>
      %dma_start3A_147 = arith.constant 16 : i32
      %dma_start3A_148 = tpu.memref_slice %arg13[%dma_start3A_147] : memref<160xf32, #tpu.memory_space<vmem>> -> memref<16xf32, #tpu.memory_space<vmem>>
      tpu.enqueue_dma source(%dma_start3A_148 : memref<16xf32, #tpu.memory_space<vmem>>) target(%dma_start3A_146 : memref<16xf32, #tpu.memory_space<hbm>>) target_semaphore(%run_scoped3A_140 : memref<!tpu.dma_semaphore, #tpu.memory_space<semaphore_mem>>)
      %dma_wait3A = arith.constant 16 : i32
      %dma_wait3A_149 = tpu.memref_slice %arg13[%dma_wait3A] : memref<160xf32, #tpu.memory_space<vmem>> -> memref<16xf32, #tpu.memory_space<vmem>>
      %dma_wait3A_150 = tpu.memref_slice %arg7[%run_scoped3A_91, %mul3A_90] : memref<10x512xf32, #tpu.memory_space<hbm>> -> memref<1x16xf32, #tpu.memory_space<hbm>>
      %dma_wait3A_151 = tpu.memref_squeeze %dma_wait3A_150 : memref<1x16xf32, #tpu.memory_space<hbm>> -> memref<16xf32, #tpu.memory_space<hbm>>
      %dma_wait3A_152 = tpu.memref_slice %arg7[%run_scoped3A_91, %mul3A_90] : memref<10x512xf32, #tpu.memory_space<hbm>> -> memref<1x16xf32, #tpu.memory_space<hbm>>
      %dma_wait3A_153 = tpu.memref_squeeze %dma_wait3A_152 : memref<1x16xf32, #tpu.memory_space<hbm>> -> memref<16xf32, #tpu.memory_space<hbm>>
      %dma_wait3A_154 = arith.constant 16 : i32
      %dma_wait3A_155 = tpu.memref_slice %arg13[%dma_wait3A_154] : memref<160xf32, #tpu.memory_space<vmem>> -> memref<16xf32, #tpu.memory_space<vmem>>
      tpu.wait_dma2 semaphore(%run_scoped3A_140 : memref<!tpu.dma_semaphore, #tpu.memory_space<semaphore_mem>>) src(%dma_wait3A_155 : memref<16xf32, #tpu.memory_space<vmem>>) dst(%dma_wait3A_153 : memref<16xf32, #tpu.memory_space<hbm>>)
      tpu.yield
    }) : () -> ()
    %mul3A_92 = arith.constant 16 : i32
    %mul3A_93 = arith.muli %add3A, %mul3A_92 : i32
    %run_scoped3A_94 = arith.constant 2 : i32
    "tpu.region"() ({
      %run_scoped3A_140 = tpu.sem_alloc : memref<!tpu.dma_semaphore, #tpu.memory_space<semaphore_mem>>
      %dma_start3A_141 = arith.constant 32 : i32
      %dma_start3A_142 = tpu.memref_slice %arg12[%dma_start3A_141] : memref<160xi32, #tpu.memory_space<vmem>> -> memref<16xi32, #tpu.memory_space<vmem>>
      %dma_start3A_143 = tpu.memref_slice %arg6[%run_scoped3A_94, %mul3A_93] : memref<10x512xi32, #tpu.memory_space<hbm>> -> memref<1x16xi32, #tpu.memory_space<hbm>>
      %dma_start3A_144 = tpu.memref_squeeze %dma_start3A_143 : memref<1x16xi32, #tpu.memory_space<hbm>> -> memref<16xi32, #tpu.memory_space<hbm>>
      %dma_start3A_145 = tpu.memref_slice %arg6[%run_scoped3A_94, %mul3A_93] : memref<10x512xi32, #tpu.memory_space<hbm>> -> memref<1x16xi32, #tpu.memory_space<hbm>>
      %dma_start3A_146 = tpu.memref_squeeze %dma_start3A_145 : memref<1x16xi32, #tpu.memory_space<hbm>> -> memref<16xi32, #tpu.memory_space<hbm>>
      %dma_start3A_147 = arith.constant 32 : i32
      %dma_start3A_148 = tpu.memref_slice %arg12[%dma_start3A_147] : memref<160xi32, #tpu.memory_space<vmem>> -> memref<16xi32, #tpu.memory_space<vmem>>
      tpu.enqueue_dma source(%dma_start3A_148 : memref<16xi32, #tpu.memory_space<vmem>>) target(%dma_start3A_146 : memref<16xi32, #tpu.memory_space<hbm>>) target_semaphore(%run_scoped3A_140 : memref<!tpu.dma_semaphore, #tpu.memory_space<semaphore_mem>>)
      %dma_wait3A = arith.constant 32 : i32
      %dma_wait3A_149 = tpu.memref_slice %arg12[%dma_wait3A] : memref<160xi32, #tpu.memory_space<vmem>> -> memref<16xi32, #tpu.memory_space<vmem>>
      %dma_wait3A_150 = tpu.memref_slice %arg6[%run_scoped3A_94, %mul3A_93] : memref<10x512xi32, #tpu.memory_space<hbm>> -> memref<1x16xi32, #tpu.memory_space<hbm>>
      %dma_wait3A_151 = tpu.memref_squeeze %dma_wait3A_150 : memref<1x16xi32, #tpu.memory_space<hbm>> -> memref<16xi32, #tpu.memory_space<hbm>>
      %dma_wait3A_152 = tpu.memref_slice %arg6[%run_scoped3A_94, %mul3A_93] : memref<10x512xi32, #tpu.memory_space<hbm>> -> memref<1x16xi32, #tpu.memory_space<hbm>>
      %dma_wait3A_153 = tpu.memref_squeeze %dma_wait3A_152 : memref<1x16xi32, #tpu.memory_space<hbm>> -> memref<16xi32, #tpu.memory_space<hbm>>
      %dma_wait3A_154 = arith.constant 32 : i32
      %dma_wait3A_155 = tpu.memref_slice %arg12[%dma_wait3A_154] : memref<160xi32, #tpu.memory_space<vmem>> -> memref<16xi32, #tpu.memory_space<vmem>>
      tpu.wait_dma2 semaphore(%run_scoped3A_140 : memref<!tpu.dma_semaphore, #tpu.memory_space<semaphore_mem>>) src(%dma_wait3A_155 : memref<16xi32, #tpu.memory_space<vmem>>) dst(%dma_wait3A_153 : memref<16xi32, #tpu.memory_space<hbm>>)
      tpu.yield
    }) : () -> ()
    %mul3A_95 = arith.constant 16 : i32
    %mul3A_96 = arith.muli %add3A, %mul3A_95 : i32
    %run_scoped3A_97 = arith.constant 2 : i32
    "tpu.region"() ({
      %run_scoped3A_140 = tpu.sem_alloc : memref<!tpu.dma_semaphore, #tpu.memory_space<semaphore_mem>>
      %dma_start3A_141 = arith.constant 32 : i32
      %dma_start3A_142 = tpu.memref_slice %arg13[%dma_start3A_141] : memref<160xf32, #tpu.memory_space<vmem>> -> memref<16xf32, #tpu.memory_space<vmem>>
      %dma_start3A_143 = tpu.memref_slice %arg7[%run_scoped3A_97, %mul3A_96] : memref<10x512xf32, #tpu.memory_space<hbm>> -> memref<1x16xf32, #tpu.memory_space<hbm>>
      %dma_start3A_144 = tpu.memref_squeeze %dma_start3A_143 : memref<1x16xf32, #tpu.memory_space<hbm>> -> memref<16xf32, #tpu.memory_space<hbm>>
      %dma_start3A_145 = tpu.memref_slice %arg7[%run_scoped3A_97, %mul3A_96] : memref<10x512xf32, #tpu.memory_space<hbm>> -> memref<1x16xf32, #tpu.memory_space<hbm>>
      %dma_start3A_146 = tpu.memref_squeeze %dma_start3A_145 : memref<1x16xf32, #tpu.memory_space<hbm>> -> memref<16xf32, #tpu.memory_space<hbm>>
      %dma_start3A_147 = arith.constant 32 : i32
      %dma_start3A_148 = tpu.memref_slice %arg13[%dma_start3A_147] : memref<160xf32, #tpu.memory_space<vmem>> -> memref<16xf32, #tpu.memory_space<vmem>>
      tpu.enqueue_dma source(%dma_start3A_148 : memref<16xf32, #tpu.memory_space<vmem>>) target(%dma_start3A_146 : memref<16xf32, #tpu.memory_space<hbm>>) target_semaphore(%run_scoped3A_140 : memref<!tpu.dma_semaphore, #tpu.memory_space<semaphore_mem>>)
      %dma_wait3A = arith.constant 32 : i32
      %dma_wait3A_149 = tpu.memref_slice %arg13[%dma_wait3A] : memref<160xf32, #tpu.memory_space<vmem>> -> memref<16xf32, #tpu.memory_space<vmem>>
      %dma_wait3A_150 = tpu.memref_slice %arg7[%run_scoped3A_97, %mul3A_96] : memref<10x512xf32, #tpu.memory_space<hbm>> -> memref<1x16xf32, #tpu.memory_space<hbm>>
      %dma_wait3A_151 = tpu.memref_squeeze %dma_wait3A_150 : memref<1x16xf32, #tpu.memory_space<hbm>> -> memref<16xf32, #tpu.memory_space<hbm>>
      %dma_wait3A_152 = tpu.memref_slice %arg7[%run_scoped3A_97, %mul3A_96] : memref<10x512xf32, #tpu.memory_space<hbm>> -> memref<1x16xf32, #tpu.memory_space<hbm>>
      %dma_wait3A_153 = tpu.memref_squeeze %dma_wait3A_152 : memref<1x16xf32, #tpu.memory_space<hbm>> -> memref<16xf32, #tpu.memory_space<hbm>>
      %dma_wait3A_154 = arith.constant 32 : i32
      %dma_wait3A_155 = tpu.memref_slice %arg13[%dma_wait3A_154] : memref<160xf32, #tpu.memory_space<vmem>> -> memref<16xf32, #tpu.memory_space<vmem>>
      tpu.wait_dma2 semaphore(%run_scoped3A_140 : memref<!tpu.dma_semaphore, #tpu.memory_space<semaphore_mem>>) src(%dma_wait3A_155 : memref<16xf32, #tpu.memory_space<vmem>>) dst(%dma_wait3A_153 : memref<16xf32, #tpu.memory_space<hbm>>)
      tpu.yield
    }) : () -> ()
    %mul3A_98 = arith.constant 16 : i32
    %mul3A_99 = arith.muli %add3A, %mul3A_98 : i32
    %run_scoped3A_100 = arith.constant 3 : i32
    "tpu.region"() ({
      %run_scoped3A_140 = tpu.sem_alloc : memref<!tpu.dma_semaphore, #tpu.memory_space<semaphore_mem>>
      %dma_start3A_141 = arith.constant 48 : i32
      %dma_start3A_142 = tpu.memref_slice %arg12[%dma_start3A_141] : memref<160xi32, #tpu.memory_space<vmem>> -> memref<16xi32, #tpu.memory_space<vmem>>
      %dma_start3A_143 = tpu.memref_slice %arg6[%run_scoped3A_100, %mul3A_99] : memref<10x512xi32, #tpu.memory_space<hbm>> -> memref<1x16xi32, #tpu.memory_space<hbm>>
      %dma_start3A_144 = tpu.memref_squeeze %dma_start3A_143 : memref<1x16xi32, #tpu.memory_space<hbm>> -> memref<16xi32, #tpu.memory_space<hbm>>
      %dma_start3A_145 = tpu.memref_slice %arg6[%run_scoped3A_100, %mul3A_99] : memref<10x512xi32, #tpu.memory_space<hbm>> -> memref<1x16xi32, #tpu.memory_space<hbm>>
      %dma_start3A_146 = tpu.memref_squeeze %dma_start3A_145 : memref<1x16xi32, #tpu.memory_space<hbm>> -> memref<16xi32, #tpu.memory_space<hbm>>
      %dma_start3A_147 = arith.constant 48 : i32
      %dma_start3A_148 = tpu.memref_slice %arg12[%dma_start3A_147] : memref<160xi32, #tpu.memory_space<vmem>> -> memref<16xi32, #tpu.memory_space<vmem>>
      tpu.enqueue_dma source(%dma_start3A_148 : memref<16xi32, #tpu.memory_space<vmem>>) target(%dma_start3A_146 : memref<16xi32, #tpu.memory_space<hbm>>) target_semaphore(%run_scoped3A_140 : memref<!tpu.dma_semaphore, #tpu.memory_space<semaphore_mem>>)
      %dma_wait3A = arith.constant 48 : i32
      %dma_wait3A_149 = tpu.memref_slice %arg12[%dma_wait3A] : memref<160xi32, #tpu.memory_space<vmem>> -> memref<16xi32, #tpu.memory_space<vmem>>
      %dma_wait3A_150 = tpu.memref_slice %arg6[%run_scoped3A_100, %mul3A_99] : memref<10x512xi32, #tpu.memory_space<hbm>> -> memref<1x16xi32, #tpu.memory_space<hbm>>
      %dma_wait3A_151 = tpu.memref_squeeze %dma_wait3A_150 : memref<1x16xi32, #tpu.memory_space<hbm>> -> memref<16xi32, #tpu.memory_space<hbm>>
      %dma_wait3A_152 = tpu.memref_slice %arg6[%run_scoped3A_100, %mul3A_99] : memref<10x512xi32, #tpu.memory_space<hbm>> -> memref<1x16xi32, #tpu.memory_space<hbm>>
      %dma_wait3A_153 = tpu.memref_squeeze %dma_wait3A_152 : memref<1x16xi32, #tpu.memory_space<hbm>> -> memref<16xi32, #tpu.memory_space<hbm>>
      %dma_wait3A_154 = arith.constant 48 : i32
      %dma_wait3A_155 = tpu.memref_slice %arg12[%dma_wait3A_154] : memref<160xi32, #tpu.memory_space<vmem>> -> memref<16xi32, #tpu.memory_space<vmem>>
      tpu.wait_dma2 semaphore(%run_scoped3A_140 : memref<!tpu.dma_semaphore, #tpu.memory_space<semaphore_mem>>) src(%dma_wait3A_155 : memref<16xi32, #tpu.memory_space<vmem>>) dst(%dma_wait3A_153 : memref<16xi32, #tpu.memory_space<hbm>>)
      tpu.yield
    }) : () -> ()
    %mul3A_101 = arith.constant 16 : i32
    %mul3A_102 = arith.muli %add3A, %mul3A_101 : i32
    %run_scoped3A_103 = arith.constant 3 : i32
    "tpu.region"() ({
      %run_scoped3A_140 = tpu.sem_alloc : memref<!tpu.dma_semaphore, #tpu.memory_space<semaphore_mem>>
      %dma_start3A_141 = arith.constant 48 : i32
      %dma_start3A_142 = tpu.memref_slice %arg13[%dma_start3A_141] : memref<160xf32, #tpu.memory_space<vmem>> -> memref<16xf32, #tpu.memory_space<vmem>>
      %dma_start3A_143 = tpu.memref_slice %arg7[%run_scoped3A_103, %mul3A_102] : memref<10x512xf32, #tpu.memory_space<hbm>> -> memref<1x16xf32, #tpu.memory_space<hbm>>
      %dma_start3A_144 = tpu.memref_squeeze %dma_start3A_143 : memref<1x16xf32, #tpu.memory_space<hbm>> -> memref<16xf32, #tpu.memory_space<hbm>>
      %dma_start3A_145 = tpu.memref_slice %arg7[%run_scoped3A_103, %mul3A_102] : memref<10x512xf32, #tpu.memory_space<hbm>> -> memref<1x16xf32, #tpu.memory_space<hbm>>
      %dma_start3A_146 = tpu.memref_squeeze %dma_start3A_145 : memref<1x16xf32, #tpu.memory_space<hbm>> -> memref<16xf32, #tpu.memory_space<hbm>>
      %dma_start3A_147 = arith.constant 48 : i32
      %dma_start3A_148 = tpu.memref_slice %arg13[%dma_start3A_147] : memref<160xf32, #tpu.memory_space<vmem>> -> memref<16xf32, #tpu.memory_space<vmem>>
      tpu.enqueue_dma source(%dma_start3A_148 : memref<16xf32, #tpu.memory_space<vmem>>) target(%dma_start3A_146 : memref<16xf32, #tpu.memory_space<hbm>>) target_semaphore(%run_scoped3A_140 : memref<!tpu.dma_semaphore, #tpu.memory_space<semaphore_mem>>)
      %dma_wait3A = arith.constant 48 : i32
      %dma_wait3A_149 = tpu.memref_slice %arg13[%dma_wait3A] : memref<160xf32, #tpu.memory_space<vmem>> -> memref<16xf32, #tpu.memory_space<vmem>>
      %dma_wait3A_150 = tpu.memref_slice %arg7[%run_scoped3A_103, %mul3A_102] : memref<10x512xf32, #tpu.memory_space<hbm>> -> memref<1x16xf32, #tpu.memory_space<hbm>>
      %dma_wait3A_151 = tpu.memref_squeeze %dma_wait3A_150 : memref<1x16xf32, #tpu.memory_space<hbm>> -> memref<16xf32, #tpu.memory_space<hbm>>
      %dma_wait3A_152 = tpu.memref_slice %arg7[%run_scoped3A_103, %mul3A_102] : memref<10x512xf32, #tpu.memory_space<hbm>> -> memref<1x16xf32, #tpu.memory_space<hbm>>
      %dma_wait3A_153 = tpu.memref_squeeze %dma_wait3A_152 : memref<1x16xf32, #tpu.memory_space<hbm>> -> memref<16xf32, #tpu.memory_space<hbm>>
      %dma_wait3A_154 = arith.constant 48 : i32
      %dma_wait3A_155 = tpu.memref_slice %arg13[%dma_wait3A_154] : memref<160xf32, #tpu.memory_space<vmem>> -> memref<16xf32, #tpu.memory_space<vmem>>
      tpu.wait_dma2 semaphore(%run_scoped3A_140 : memref<!tpu.dma_semaphore, #tpu.memory_space<semaphore_mem>>) src(%dma_wait3A_155 : memref<16xf32, #tpu.memory_space<vmem>>) dst(%dma_wait3A_153 : memref<16xf32, #tpu.memory_space<hbm>>)
      tpu.yield
    }) : () -> ()
    %mul3A_104 = arith.constant 16 : i32
    %mul3A_105 = arith.muli %add3A, %mul3A_104 : i32
    %run_scoped3A_106 = arith.constant 4 : i32
    "tpu.region"() ({
      %run_scoped3A_140 = tpu.sem_alloc : memref<!tpu.dma_semaphore, #tpu.memory_space<semaphore_mem>>
      %dma_start3A_141 = arith.constant 64 : i32
      %dma_start3A_142 = tpu.memref_slice %arg12[%dma_start3A_141] : memref<160xi32, #tpu.memory_space<vmem>> -> memref<16xi32, #tpu.memory_space<vmem>>
      %dma_start3A_143 = tpu.memref_slice %arg6[%run_scoped3A_106, %mul3A_105] : memref<10x512xi32, #tpu.memory_space<hbm>> -> memref<1x16xi32, #tpu.memory_space<hbm>>
      %dma_start3A_144 = tpu.memref_squeeze %dma_start3A_143 : memref<1x16xi32, #tpu.memory_space<hbm>> -> memref<16xi32, #tpu.memory_space<hbm>>
      %dma_start3A_145 = tpu.memref_slice %arg6[%run_scoped3A_106, %mul3A_105] : memref<10x512xi32, #tpu.memory_space<hbm>> -> memref<1x16xi32, #tpu.memory_space<hbm>>
      %dma_start3A_146 = tpu.memref_squeeze %dma_start3A_145 : memref<1x16xi32, #tpu.memory_space<hbm>> -> memref<16xi32, #tpu.memory_space<hbm>>
      %dma_start3A_147 = arith.constant 64 : i32
      %dma_start3A_148 = tpu.memref_slice %arg12[%dma_start3A_147] : memref<160xi32, #tpu.memory_space<vmem>> -> memref<16xi32, #tpu.memory_space<vmem>>
      tpu.enqueue_dma source(%dma_start3A_148 : memref<16xi32, #tpu.memory_space<vmem>>) target(%dma_start3A_146 : memref<16xi32, #tpu.memory_space<hbm>>) target_semaphore(%run_scoped3A_140 : memref<!tpu.dma_semaphore, #tpu.memory_space<semaphore_mem>>)
      %dma_wait3A = arith.constant 64 : i32
      %dma_wait3A_149 = tpu.memref_slice %arg12[%dma_wait3A] : memref<160xi32, #tpu.memory_space<vmem>> -> memref<16xi32, #tpu.memory_space<vmem>>
      %dma_wait3A_150 = tpu.memref_slice %arg6[%run_scoped3A_106, %mul3A_105] : memref<10x512xi32, #tpu.memory_space<hbm>> -> memref<1x16xi32, #tpu.memory_space<hbm>>
      %dma_wait3A_151 = tpu.memref_squeeze %dma_wait3A_150 : memref<1x16xi32, #tpu.memory_space<hbm>> -> memref<16xi32, #tpu.memory_space<hbm>>
      %dma_wait3A_152 = tpu.memref_slice %arg6[%run_scoped3A_106, %mul3A_105] : memref<10x512xi32, #tpu.memory_space<hbm>> -> memref<1x16xi32, #tpu.memory_space<hbm>>
      %dma_wait3A_153 = tpu.memref_squeeze %dma_wait3A_152 : memref<1x16xi32, #tpu.memory_space<hbm>> -> memref<16xi32, #tpu.memory_space<hbm>>
      %dma_wait3A_154 = arith.constant 64 : i32
      %dma_wait3A_155 = tpu.memref_slice %arg12[%dma_wait3A_154] : memref<160xi32, #tpu.memory_space<vmem>> -> memref<16xi32, #tpu.memory_space<vmem>>
      tpu.wait_dma2 semaphore(%run_scoped3A_140 : memref<!tpu.dma_semaphore, #tpu.memory_space<semaphore_mem>>) src(%dma_wait3A_155 : memref<16xi32, #tpu.memory_space<vmem>>) dst(%dma_wait3A_153 : memref<16xi32, #tpu.memory_space<hbm>>)
      tpu.yield
    }) : () -> ()
    %mul3A_107 = arith.constant 16 : i32
    %mul3A_108 = arith.muli %add3A, %mul3A_107 : i32
    %run_scoped3A_109 = arith.constant 4 : i32
    "tpu.region"() ({
      %run_scoped3A_140 = tpu.sem_alloc : memref<!tpu.dma_semaphore, #tpu.memory_space<semaphore_mem>>
      %dma_start3A_141 = arith.constant 64 : i32
      %dma_start3A_142 = tpu.memref_slice %arg13[%dma_start3A_141] : memref<160xf32, #tpu.memory_space<vmem>> -> memref<16xf32, #tpu.memory_space<vmem>>
      %dma_start3A_143 = tpu.memref_slice %arg7[%run_scoped3A_109, %mul3A_108] : memref<10x512xf32, #tpu.memory_space<hbm>> -> memref<1x16xf32, #tpu.memory_space<hbm>>
      %dma_start3A_144 = tpu.memref_squeeze %dma_start3A_143 : memref<1x16xf32, #tpu.memory_space<hbm>> -> memref<16xf32, #tpu.memory_space<hbm>>
      %dma_start3A_145 = tpu.memref_slice %arg7[%run_scoped3A_109, %mul3A_108] : memref<10x512xf32, #tpu.memory_space<hbm>> -> memref<1x16xf32, #tpu.memory_space<hbm>>
      %dma_start3A_146 = tpu.memref_squeeze %dma_start3A_145 : memref<1x16xf32, #tpu.memory_space<hbm>> -> memref<16xf32, #tpu.memory_space<hbm>>
      %dma_start3A_147 = arith.constant 64 : i32
      %dma_start3A_148 = tpu.memref_slice %arg13[%dma_start3A_147] : memref<160xf32, #tpu.memory_space<vmem>> -> memref<16xf32, #tpu.memory_space<vmem>>
      tpu.enqueue_dma source(%dma_start3A_148 : memref<16xf32, #tpu.memory_space<vmem>>) target(%dma_start3A_146 : memref<16xf32, #tpu.memory_space<hbm>>) target_semaphore(%run_scoped3A_140 : memref<!tpu.dma_semaphore, #tpu.memory_space<semaphore_mem>>)
      %dma_wait3A = arith.constant 64 : i32
      %dma_wait3A_149 = tpu.memref_slice %arg13[%dma_wait3A] : memref<160xf32, #tpu.memory_space<vmem>> -> memref<16xf32, #tpu.memory_space<vmem>>
      %dma_wait3A_150 = tpu.memref_slice %arg7[%run_scoped3A_109, %mul3A_108] : memref<10x512xf32, #tpu.memory_space<hbm>> -> memref<1x16xf32, #tpu.memory_space<hbm>>
      %dma_wait3A_151 = tpu.memref_squeeze %dma_wait3A_150 : memref<1x16xf32, #tpu.memory_space<hbm>> -> memref<16xf32, #tpu.memory_space<hbm>>
      %dma_wait3A_152 = tpu.memref_slice %arg7[%run_scoped3A_109, %mul3A_108] : memref<10x512xf32, #tpu.memory_space<hbm>> -> memref<1x16xf32, #tpu.memory_space<hbm>>
      %dma_wait3A_153 = tpu.memref_squeeze %dma_wait3A_152 : memref<1x16xf32, #tpu.memory_space<hbm>> -> memref<16xf32, #tpu.memory_space<hbm>>
      %dma_wait3A_154 = arith.constant 64 : i32
      %dma_wait3A_155 = tpu.memref_slice %arg13[%dma_wait3A_154] : memref<160xf32, #tpu.memory_space<vmem>> -> memref<16xf32, #tpu.memory_space<vmem>>
      tpu.wait_dma2 semaphore(%run_scoped3A_140 : memref<!tpu.dma_semaphore, #tpu.memory_space<semaphore_mem>>) src(%dma_wait3A_155 : memref<16xf32, #tpu.memory_space<vmem>>) dst(%dma_wait3A_153 : memref<16xf32, #tpu.memory_space<hbm>>)
      tpu.yield
    }) : () -> ()
    %mul3A_110 = arith.constant 16 : i32
    %mul3A_111 = arith.muli %add3A, %mul3A_110 : i32
    %run_scoped3A_112 = arith.constant 5 : i32
    "tpu.region"() ({
      %run_scoped3A_140 = tpu.sem_alloc : memref<!tpu.dma_semaphore, #tpu.memory_space<semaphore_mem>>
      %dma_start3A_141 = arith.constant 80 : i32
      %dma_start3A_142 = tpu.memref_slice %arg12[%dma_start3A_141] : memref<160xi32, #tpu.memory_space<vmem>> -> memref<16xi32, #tpu.memory_space<vmem>>
      %dma_start3A_143 = tpu.memref_slice %arg6[%run_scoped3A_112, %mul3A_111] : memref<10x512xi32, #tpu.memory_space<hbm>> -> memref<1x16xi32, #tpu.memory_space<hbm>>
      %dma_start3A_144 = tpu.memref_squeeze %dma_start3A_143 : memref<1x16xi32, #tpu.memory_space<hbm>> -> memref<16xi32, #tpu.memory_space<hbm>>
      %dma_start3A_145 = tpu.memref_slice %arg6[%run_scoped3A_112, %mul3A_111] : memref<10x512xi32, #tpu.memory_space<hbm>> -> memref<1x16xi32, #tpu.memory_space<hbm>>
      %dma_start3A_146 = tpu.memref_squeeze %dma_start3A_145 : memref<1x16xi32, #tpu.memory_space<hbm>> -> memref<16xi32, #tpu.memory_space<hbm>>
      %dma_start3A_147 = arith.constant 80 : i32
      %dma_start3A_148 = tpu.memref_slice %arg12[%dma_start3A_147] : memref<160xi32, #tpu.memory_space<vmem>> -> memref<16xi32, #tpu.memory_space<vmem>>
      tpu.enqueue_dma source(%dma_start3A_148 : memref<16xi32, #tpu.memory_space<vmem>>) target(%dma_start3A_146 : memref<16xi32, #tpu.memory_space<hbm>>) target_semaphore(%run_scoped3A_140 : memref<!tpu.dma_semaphore, #tpu.memory_space<semaphore_mem>>)
      %dma_wait3A = arith.constant 80 : i32
      %dma_wait3A_149 = tpu.memref_slice %arg12[%dma_wait3A] : memref<160xi32, #tpu.memory_space<vmem>> -> memref<16xi32, #tpu.memory_space<vmem>>
      %dma_wait3A_150 = tpu.memref_slice %arg6[%run_scoped3A_112, %mul3A_111] : memref<10x512xi32, #tpu.memory_space<hbm>> -> memref<1x16xi32, #tpu.memory_space<hbm>>
      %dma_wait3A_151 = tpu.memref_squeeze %dma_wait3A_150 : memref<1x16xi32, #tpu.memory_space<hbm>> -> memref<16xi32, #tpu.memory_space<hbm>>
      %dma_wait3A_152 = tpu.memref_slice %arg6[%run_scoped3A_112, %mul3A_111] : memref<10x512xi32, #tpu.memory_space<hbm>> -> memref<1x16xi32, #tpu.memory_space<hbm>>
      %dma_wait3A_153 = tpu.memref_squeeze %dma_wait3A_152 : memref<1x16xi32, #tpu.memory_space<hbm>> -> memref<16xi32, #tpu.memory_space<hbm>>
      %dma_wait3A_154 = arith.constant 80 : i32
      %dma_wait3A_155 = tpu.memref_slice %arg12[%dma_wait3A_154] : memref<160xi32, #tpu.memory_space<vmem>> -> memref<16xi32, #tpu.memory_space<vmem>>
      tpu.wait_dma2 semaphore(%run_scoped3A_140 : memref<!tpu.dma_semaphore, #tpu.memory_space<semaphore_mem>>) src(%dma_wait3A_155 : memref<16xi32, #tpu.memory_space<vmem>>) dst(%dma_wait3A_153 : memref<16xi32, #tpu.memory_space<hbm>>)
      tpu.yield
    }) : () -> ()
    %mul3A_113 = arith.constant 16 : i32
    %mul3A_114 = arith.muli %add3A, %mul3A_113 : i32
    %run_scoped3A_115 = arith.constant 5 : i32
    "tpu.region"() ({
      %run_scoped3A_140 = tpu.sem_alloc : memref<!tpu.dma_semaphore, #tpu.memory_space<semaphore_mem>>
      %dma_start3A_141 = arith.constant 80 : i32
      %dma_start3A_142 = tpu.memref_slice %arg13[%dma_start3A_141] : memref<160xf32, #tpu.memory_space<vmem>> -> memref<16xf32, #tpu.memory_space<vmem>>
      %dma_start3A_143 = tpu.memref_slice %arg7[%run_scoped3A_115, %mul3A_114] : memref<10x512xf32, #tpu.memory_space<hbm>> -> memref<1x16xf32, #tpu.memory_space<hbm>>
      %dma_start3A_144 = tpu.memref_squeeze %dma_start3A_143 : memref<1x16xf32, #tpu.memory_space<hbm>> -> memref<16xf32, #tpu.memory_space<hbm>>
      %dma_start3A_145 = tpu.memref_slice %arg7[%run_scoped3A_115, %mul3A_114] : memref<10x512xf32, #tpu.memory_space<hbm>> -> memref<1x16xf32, #tpu.memory_space<hbm>>
      %dma_start3A_146 = tpu.memref_squeeze %dma_start3A_145 : memref<1x16xf32, #tpu.memory_space<hbm>> -> memref<16xf32, #tpu.memory_space<hbm>>
      %dma_start3A_147 = arith.constant 80 : i32
      %dma_start3A_148 = tpu.memref_slice %arg13[%dma_start3A_147] : memref<160xf32, #tpu.memory_space<vmem>> -> memref<16xf32, #tpu.memory_space<vmem>>
      tpu.enqueue_dma source(%dma_start3A_148 : memref<16xf32, #tpu.memory_space<vmem>>) target(%dma_start3A_146 : memref<16xf32, #tpu.memory_space<hbm>>) target_semaphore(%run_scoped3A_140 : memref<!tpu.dma_semaphore, #tpu.memory_space<semaphore_mem>>)
      %dma_wait3A = arith.constant 80 : i32
      %dma_wait3A_149 = tpu.memref_slice %arg13[%dma_wait3A] : memref<160xf32, #tpu.memory_space<vmem>> -> memref<16xf32, #tpu.memory_space<vmem>>
      %dma_wait3A_150 = tpu.memref_slice %arg7[%run_scoped3A_115, %mul3A_114] : memref<10x512xf32, #tpu.memory_space<hbm>> -> memref<1x16xf32, #tpu.memory_space<hbm>>
      %dma_wait3A_151 = tpu.memref_squeeze %dma_wait3A_150 : memref<1x16xf32, #tpu.memory_space<hbm>> -> memref<16xf32, #tpu.memory_space<hbm>>
      %dma_wait3A_152 = tpu.memref_slice %arg7[%run_scoped3A_115, %mul3A_114] : memref<10x512xf32, #tpu.memory_space<hbm>> -> memref<1x16xf32, #tpu.memory_space<hbm>>
      %dma_wait3A_153 = tpu.memref_squeeze %dma_wait3A_152 : memref<1x16xf32, #tpu.memory_space<hbm>> -> memref<16xf32, #tpu.memory_space<hbm>>
      %dma_wait3A_154 = arith.constant 80 : i32
      %dma_wait3A_155 = tpu.memref_slice %arg13[%dma_wait3A_154] : memref<160xf32, #tpu.memory_space<vmem>> -> memref<16xf32, #tpu.memory_space<vmem>>
      tpu.wait_dma2 semaphore(%run_scoped3A_140 : memref<!tpu.dma_semaphore, #tpu.memory_space<semaphore_mem>>) src(%dma_wait3A_155 : memref<16xf32, #tpu.memory_space<vmem>>) dst(%dma_wait3A_153 : memref<16xf32, #tpu.memory_space<hbm>>)
      tpu.yield
    }) : () -> ()
    %mul3A_116 = arith.constant 16 : i32
    %mul3A_117 = arith.muli %add3A, %mul3A_116 : i32
    %run_scoped3A_118 = arith.constant 6 : i32
    "tpu.region"() ({
      %run_scoped3A_140 = tpu.sem_alloc : memref<!tpu.dma_semaphore, #tpu.memory_space<semaphore_mem>>
      %dma_start3A_141 = arith.constant 96 : i32
      %dma_start3A_142 = tpu.memref_slice %arg12[%dma_start3A_141] : memref<160xi32, #tpu.memory_space<vmem>> -> memref<16xi32, #tpu.memory_space<vmem>>
      %dma_start3A_143 = tpu.memref_slice %arg6[%run_scoped3A_118, %mul3A_117] : memref<10x512xi32, #tpu.memory_space<hbm>> -> memref<1x16xi32, #tpu.memory_space<hbm>>
      %dma_start3A_144 = tpu.memref_squeeze %dma_start3A_143 : memref<1x16xi32, #tpu.memory_space<hbm>> -> memref<16xi32, #tpu.memory_space<hbm>>
      %dma_start3A_145 = tpu.memref_slice %arg6[%run_scoped3A_118, %mul3A_117] : memref<10x512xi32, #tpu.memory_space<hbm>> -> memref<1x16xi32, #tpu.memory_space<hbm>>
      %dma_start3A_146 = tpu.memref_squeeze %dma_start3A_145 : memref<1x16xi32, #tpu.memory_space<hbm>> -> memref<16xi32, #tpu.memory_space<hbm>>
      %dma_start3A_147 = arith.constant 96 : i32
      %dma_start3A_148 = tpu.memref_slice %arg12[%dma_start3A_147] : memref<160xi32, #tpu.memory_space<vmem>> -> memref<16xi32, #tpu.memory_space<vmem>>
      tpu.enqueue_dma source(%dma_start3A_148 : memref<16xi32, #tpu.memory_space<vmem>>) target(%dma_start3A_146 : memref<16xi32, #tpu.memory_space<hbm>>) target_semaphore(%run_scoped3A_140 : memref<!tpu.dma_semaphore, #tpu.memory_space<semaphore_mem>>)
      %dma_wait3A = arith.constant 96 : i32
      %dma_wait3A_149 = tpu.memref_slice %arg12[%dma_wait3A] : memref<160xi32, #tpu.memory_space<vmem>> -> memref<16xi32, #tpu.memory_space<vmem>>
      %dma_wait3A_150 = tpu.memref_slice %arg6[%run_scoped3A_118, %mul3A_117] : memref<10x512xi32, #tpu.memory_space<hbm>> -> memref<1x16xi32, #tpu.memory_space<hbm>>
      %dma_wait3A_151 = tpu.memref_squeeze %dma_wait3A_150 : memref<1x16xi32, #tpu.memory_space<hbm>> -> memref<16xi32, #tpu.memory_space<hbm>>
      %dma_wait3A_152 = tpu.memref_slice %arg6[%run_scoped3A_118, %mul3A_117] : memref<10x512xi32, #tpu.memory_space<hbm>> -> memref<1x16xi32, #tpu.memory_space<hbm>>
      %dma_wait3A_153 = tpu.memref_squeeze %dma_wait3A_152 : memref<1x16xi32, #tpu.memory_space<hbm>> -> memref<16xi32, #tpu.memory_space<hbm>>
      %dma_wait3A_154 = arith.constant 96 : i32
      %dma_wait3A_155 = tpu.memref_slice %arg12[%dma_wait3A_154] : memref<160xi32, #tpu.memory_space<vmem>> -> memref<16xi32, #tpu.memory_space<vmem>>
      tpu.wait_dma2 semaphore(%run_scoped3A_140 : memref<!tpu.dma_semaphore, #tpu.memory_space<semaphore_mem>>) src(%dma_wait3A_155 : memref<16xi32, #tpu.memory_space<vmem>>) dst(%dma_wait3A_153 : memref<16xi32, #tpu.memory_space<hbm>>)
      tpu.yield
    }) : () -> ()
    %mul3A_119 = arith.constant 16 : i32
    %mul3A_120 = arith.muli %add3A, %mul3A_119 : i32
    %run_scoped3A_121 = arith.constant 6 : i32
    "tpu.region"() ({
      %run_scoped3A_140 = tpu.sem_alloc : memref<!tpu.dma_semaphore, #tpu.memory_space<semaphore_mem>>
      %dma_start3A_141 = arith.constant 96 : i32
      %dma_start3A_142 = tpu.memref_slice %arg13[%dma_start3A_141] : memref<160xf32, #tpu.memory_space<vmem>> -> memref<16xf32, #tpu.memory_space<vmem>>
      %dma_start3A_143 = tpu.memref_slice %arg7[%run_scoped3A_121, %mul3A_120] : memref<10x512xf32, #tpu.memory_space<hbm>> -> memref<1x16xf32, #tpu.memory_space<hbm>>
      %dma_start3A_144 = tpu.memref_squeeze %dma_start3A_143 : memref<1x16xf32, #tpu.memory_space<hbm>> -> memref<16xf32, #tpu.memory_space<hbm>>
      %dma_start3A_145 = tpu.memref_slice %arg7[%run_scoped3A_121, %mul3A_120] : memref<10x512xf32, #tpu.memory_space<hbm>> -> memref<1x16xf32, #tpu.memory_space<hbm>>
      %dma_start3A_146 = tpu.memref_squeeze %dma_start3A_145 : memref<1x16xf32, #tpu.memory_space<hbm>> -> memref<16xf32, #tpu.memory_space<hbm>>
      %dma_start3A_147 = arith.constant 96 : i32
      %dma_start3A_148 = tpu.memref_slice %arg13[%dma_start3A_147] : memref<160xf32, #tpu.memory_space<vmem>> -> memref<16xf32, #tpu.memory_space<vmem>>
      tpu.enqueue_dma source(%dma_start3A_148 : memref<16xf32, #tpu.memory_space<vmem>>) target(%dma_start3A_146 : memref<16xf32, #tpu.memory_space<hbm>>) target_semaphore(%run_scoped3A_140 : memref<!tpu.dma_semaphore, #tpu.memory_space<semaphore_mem>>)
      %dma_wait3A = arith.constant 96 : i32
      %dma_wait3A_149 = tpu.memref_slice %arg13[%dma_wait3A] : memref<160xf32, #tpu.memory_space<vmem>> -> memref<16xf32, #tpu.memory_space<vmem>>
      %dma_wait3A_150 = tpu.memref_slice %arg7[%run_scoped3A_121, %mul3A_120] : memref<10x512xf32, #tpu.memory_space<hbm>> -> memref<1x16xf32, #tpu.memory_space<hbm>>
      %dma_wait3A_151 = tpu.memref_squeeze %dma_wait3A_150 : memref<1x16xf32, #tpu.memory_space<hbm>> -> memref<16xf32, #tpu.memory_space<hbm>>
      %dma_wait3A_152 = tpu.memref_slice %arg7[%run_scoped3A_121, %mul3A_120] : memref<10x512xf32, #tpu.memory_space<hbm>> -> memref<1x16xf32, #tpu.memory_space<hbm>>
      %dma_wait3A_153 = tpu.memref_squeeze %dma_wait3A_152 : memref<1x16xf32, #tpu.memory_space<hbm>> -> memref<16xf32, #tpu.memory_space<hbm>>
      %dma_wait3A_154 = arith.constant 96 : i32
      %dma_wait3A_155 = tpu.memref_slice %arg13[%dma_wait3A_154] : memref<160xf32, #tpu.memory_space<vmem>> -> memref<16xf32, #tpu.memory_space<vmem>>
      tpu.wait_dma2 semaphore(%run_scoped3A_140 : memref<!tpu.dma_semaphore, #tpu.memory_space<semaphore_mem>>) src(%dma_wait3A_155 : memref<16xf32, #tpu.memory_space<vmem>>) dst(%dma_wait3A_153 : memref<16xf32, #tpu.memory_space<hbm>>)
      tpu.yield
    }) : () -> ()
    %mul3A_122 = arith.constant 16 : i32
    %mul3A_123 = arith.muli %add3A, %mul3A_122 : i32
    %run_scoped3A_124 = arith.constant 7 : i32
    "tpu.region"() ({
      %run_scoped3A_140 = tpu.sem_alloc : memref<!tpu.dma_semaphore, #tpu.memory_space<semaphore_mem>>
      %dma_start3A_141 = arith.constant 112 : i32
      %dma_start3A_142 = tpu.memref_slice %arg12[%dma_start3A_141] : memref<160xi32, #tpu.memory_space<vmem>> -> memref<16xi32, #tpu.memory_space<vmem>>
      %dma_start3A_143 = tpu.memref_slice %arg6[%run_scoped3A_124, %mul3A_123] : memref<10x512xi32, #tpu.memory_space<hbm>> -> memref<1x16xi32, #tpu.memory_space<hbm>>
      %dma_start3A_144 = tpu.memref_squeeze %dma_start3A_143 : memref<1x16xi32, #tpu.memory_space<hbm>> -> memref<16xi32, #tpu.memory_space<hbm>>
      %dma_start3A_145 = tpu.memref_slice %arg6[%run_scoped3A_124, %mul3A_123] : memref<10x512xi32, #tpu.memory_space<hbm>> -> memref<1x16xi32, #tpu.memory_space<hbm>>
      %dma_start3A_146 = tpu.memref_squeeze %dma_start3A_145 : memref<1x16xi32, #tpu.memory_space<hbm>> -> memref<16xi32, #tpu.memory_space<hbm>>
      %dma_start3A_147 = arith.constant 112 : i32
      %dma_start3A_148 = tpu.memref_slice %arg12[%dma_start3A_147] : memref<160xi32, #tpu.memory_space<vmem>> -> memref<16xi32, #tpu.memory_space<vmem>>
      tpu.enqueue_dma source(%dma_start3A_148 : memref<16xi32, #tpu.memory_space<vmem>>) target(%dma_start3A_146 : memref<16xi32, #tpu.memory_space<hbm>>) target_semaphore(%run_scoped3A_140 : memref<!tpu.dma_semaphore, #tpu.memory_space<semaphore_mem>>)
      %dma_wait3A = arith.constant 112 : i32
      %dma_wait3A_149 = tpu.memref_slice %arg12[%dma_wait3A] : memref<160xi32, #tpu.memory_space<vmem>> -> memref<16xi32, #tpu.memory_space<vmem>>
      %dma_wait3A_150 = tpu.memref_slice %arg6[%run_scoped3A_124, %mul3A_123] : memref<10x512xi32, #tpu.memory_space<hbm>> -> memref<1x16xi32, #tpu.memory_space<hbm>>
      %dma_wait3A_151 = tpu.memref_squeeze %dma_wait3A_150 : memref<1x16xi32, #tpu.memory_space<hbm>> -> memref<16xi32, #tpu.memory_space<hbm>>
      %dma_wait3A_152 = tpu.memref_slice %arg6[%run_scoped3A_124, %mul3A_123] : memref<10x512xi32, #tpu.memory_space<hbm>> -> memref<1x16xi32, #tpu.memory_space<hbm>>
      %dma_wait3A_153 = tpu.memref_squeeze %dma_wait3A_152 : memref<1x16xi32, #tpu.memory_space<hbm>> -> memref<16xi32, #tpu.memory_space<hbm>>
      %dma_wait3A_154 = arith.constant 112 : i32
      %dma_wait3A_155 = tpu.memref_slice %arg12[%dma_wait3A_154] : memref<160xi32, #tpu.memory_space<vmem>> -> memref<16xi32, #tpu.memory_space<vmem>>
      tpu.wait_dma2 semaphore(%run_scoped3A_140 : memref<!tpu.dma_semaphore, #tpu.memory_space<semaphore_mem>>) src(%dma_wait3A_155 : memref<16xi32, #tpu.memory_space<vmem>>) dst(%dma_wait3A_153 : memref<16xi32, #tpu.memory_space<hbm>>)
      tpu.yield
    }) : () -> ()
    %mul3A_125 = arith.constant 16 : i32
    %mul3A_126 = arith.muli %add3A, %mul3A_125 : i32
    %run_scoped3A_127 = arith.constant 7 : i32
    "tpu.region"() ({
      %run_scoped3A_140 = tpu.sem_alloc : memref<!tpu.dma_semaphore, #tpu.memory_space<semaphore_mem>>
      %dma_start3A_141 = arith.constant 112 : i32
      %dma_start3A_142 = tpu.memref_slice %arg13[%dma_start3A_141] : memref<160xf32, #tpu.memory_space<vmem>> -> memref<16xf32, #tpu.memory_space<vmem>>
      %dma_start3A_143 = tpu.memref_slice %arg7[%run_scoped3A_127, %mul3A_126] : memref<10x512xf32, #tpu.memory_space<hbm>> -> memref<1x16xf32, #tpu.memory_space<hbm>>
      %dma_start3A_144 = tpu.memref_squeeze %dma_start3A_143 : memref<1x16xf32, #tpu.memory_space<hbm>> -> memref<16xf32, #tpu.memory_space<hbm>>
      %dma_start3A_145 = tpu.memref_slice %arg7[%run_scoped3A_127, %mul3A_126] : memref<10x512xf32, #tpu.memory_space<hbm>> -> memref<1x16xf32, #tpu.memory_space<hbm>>
      %dma_start3A_146 = tpu.memref_squeeze %dma_start3A_145 : memref<1x16xf32, #tpu.memory_space<hbm>> -> memref<16xf32, #tpu.memory_space<hbm>>
      %dma_start3A_147 = arith.constant 112 : i32
      %dma_start3A_148 = tpu.memref_slice %arg13[%dma_start3A_147] : memref<160xf32, #tpu.memory_space<vmem>> -> memref<16xf32, #tpu.memory_space<vmem>>
      tpu.enqueue_dma source(%dma_start3A_148 : memref<16xf32, #tpu.memory_space<vmem>>) target(%dma_start3A_146 : memref<16xf32, #tpu.memory_space<hbm>>) target_semaphore(%run_scoped3A_140 : memref<!tpu.dma_semaphore, #tpu.memory_space<semaphore_mem>>)
      %dma_wait3A = arith.constant 112 : i32
      %dma_wait3A_149 = tpu.memref_slice %arg13[%dma_wait3A] : memref<160xf32, #tpu.memory_space<vmem>> -> memref<16xf32, #tpu.memory_space<vmem>>
      %dma_wait3A_150 = tpu.memref_slice %arg7[%run_scoped3A_127, %mul3A_126] : memref<10x512xf32, #tpu.memory_space<hbm>> -> memref<1x16xf32, #tpu.memory_space<hbm>>
      %dma_wait3A_151 = tpu.memref_squeeze %dma_wait3A_150 : memref<1x16xf32, #tpu.memory_space<hbm>> -> memref<16xf32, #tpu.memory_space<hbm>>
      %dma_wait3A_152 = tpu.memref_slice %arg7[%run_scoped3A_127, %mul3A_126] : memref<10x512xf32, #tpu.memory_space<hbm>> -> memref<1x16xf32, #tpu.memory_space<hbm>>
      %dma_wait3A_153 = tpu.memref_squeeze %dma_wait3A_152 : memref<1x16xf32, #tpu.memory_space<hbm>> -> memref<16xf32, #tpu.memory_space<hbm>>
      %dma_wait3A_154 = arith.constant 112 : i32
      %dma_wait3A_155 = tpu.memref_slice %arg13[%dma_wait3A_154] : memref<160xf32, #tpu.memory_space<vmem>> -> memref<16xf32, #tpu.memory_space<vmem>>
      tpu.wait_dma2 semaphore(%run_scoped3A_140 : memref<!tpu.dma_semaphore, #tpu.memory_space<semaphore_mem>>) src(%dma_wait3A_155 : memref<16xf32, #tpu.memory_space<vmem>>) dst(%dma_wait3A_153 : memref<16xf32, #tpu.memory_space<hbm>>)
      tpu.yield
    }) : () -> ()
    %mul3A_128 = arith.constant 16 : i32
    %mul3A_129 = arith.muli %add3A, %mul3A_128 : i32
    %run_scoped3A_130 = arith.constant 8 : i32
    "tpu.region"() ({
      %run_scoped3A_140 = tpu.sem_alloc : memref<!tpu.dma_semaphore, #tpu.memory_space<semaphore_mem>>
      %dma_start3A_141 = arith.constant 128 : i32
      %dma_start3A_142 = tpu.memref_slice %arg12[%dma_start3A_141] : memref<160xi32, #tpu.memory_space<vmem>> -> memref<16xi32, #tpu.memory_space<vmem>>
      %dma_start3A_143 = tpu.memref_slice %arg6[%run_scoped3A_130, %mul3A_129] : memref<10x512xi32, #tpu.memory_space<hbm>> -> memref<1x16xi32, #tpu.memory_space<hbm>>
      %dma_start3A_144 = tpu.memref_squeeze %dma_start3A_143 : memref<1x16xi32, #tpu.memory_space<hbm>> -> memref<16xi32, #tpu.memory_space<hbm>>
      %dma_start3A_145 = tpu.memref_slice %arg6[%run_scoped3A_130, %mul3A_129] : memref<10x512xi32, #tpu.memory_space<hbm>> -> memref<1x16xi32, #tpu.memory_space<hbm>>
      %dma_start3A_146 = tpu.memref_squeeze %dma_start3A_145 : memref<1x16xi32, #tpu.memory_space<hbm>> -> memref<16xi32, #tpu.memory_space<hbm>>
      %dma_start3A_147 = arith.constant 128 : i32
      %dma_start3A_148 = tpu.memref_slice %arg12[%dma_start3A_147] : memref<160xi32, #tpu.memory_space<vmem>> -> memref<16xi32, #tpu.memory_space<vmem>>
      tpu.enqueue_dma source(%dma_start3A_148 : memref<16xi32, #tpu.memory_space<vmem>>) target(%dma_start3A_146 : memref<16xi32, #tpu.memory_space<hbm>>) target_semaphore(%run_scoped3A_140 : memref<!tpu.dma_semaphore, #tpu.memory_space<semaphore_mem>>)
      %dma_wait3A = arith.constant 128 : i32
      %dma_wait3A_149 = tpu.memref_slice %arg12[%dma_wait3A] : memref<160xi32, #tpu.memory_space<vmem>> -> memref<16xi32, #tpu.memory_space<vmem>>
      %dma_wait3A_150 = tpu.memref_slice %arg6[%run_scoped3A_130, %mul3A_129] : memref<10x512xi32, #tpu.memory_space<hbm>> -> memref<1x16xi32, #tpu.memory_space<hbm>>
      %dma_wait3A_151 = tpu.memref_squeeze %dma_wait3A_150 : memref<1x16xi32, #tpu.memory_space<hbm>> -> memref<16xi32, #tpu.memory_space<hbm>>
      %dma_wait3A_152 = tpu.memref_slice %arg6[%run_scoped3A_130, %mul3A_129] : memref<10x512xi32, #tpu.memory_space<hbm>> -> memref<1x16xi32, #tpu.memory_space<hbm>>
      %dma_wait3A_153 = tpu.memref_squeeze %dma_wait3A_152 : memref<1x16xi32, #tpu.memory_space<hbm>> -> memref<16xi32, #tpu.memory_space<hbm>>
      %dma_wait3A_154 = arith.constant 128 : i32
      %dma_wait3A_155 = tpu.memref_slice %arg12[%dma_wait3A_154] : memref<160xi32, #tpu.memory_space<vmem>> -> memref<16xi32, #tpu.memory_space<vmem>>
      tpu.wait_dma2 semaphore(%run_scoped3A_140 : memref<!tpu.dma_semaphore, #tpu.memory_space<semaphore_mem>>) src(%dma_wait3A_155 : memref<16xi32, #tpu.memory_space<vmem>>) dst(%dma_wait3A_153 : memref<16xi32, #tpu.memory_space<hbm>>)
      tpu.yield
    }) : () -> ()
    %mul3A_131 = arith.constant 16 : i32
    %mul3A_132 = arith.muli %add3A, %mul3A_131 : i32
    %run_scoped3A_133 = arith.constant 8 : i32
    "tpu.region"() ({
      %run_scoped3A_140 = tpu.sem_alloc : memref<!tpu.dma_semaphore, #tpu.memory_space<semaphore_mem>>
      %dma_start3A_141 = arith.constant 128 : i32
      %dma_start3A_142 = tpu.memref_slice %arg13[%dma_start3A_141] : memref<160xf32, #tpu.memory_space<vmem>> -> memref<16xf32, #tpu.memory_space<vmem>>
      %dma_start3A_143 = tpu.memref_slice %arg7[%run_scoped3A_133, %mul3A_132] : memref<10x512xf32, #tpu.memory_space<hbm>> -> memref<1x16xf32, #tpu.memory_space<hbm>>
      %dma_start3A_144 = tpu.memref_squeeze %dma_start3A_143 : memref<1x16xf32, #tpu.memory_space<hbm>> -> memref<16xf32, #tpu.memory_space<hbm>>
      %dma_start3A_145 = tpu.memref_slice %arg7[%run_scoped3A_133, %mul3A_132] : memref<10x512xf32, #tpu.memory_space<hbm>> -> memref<1x16xf32, #tpu.memory_space<hbm>>
      %dma_start3A_146 = tpu.memref_squeeze %dma_start3A_145 : memref<1x16xf32, #tpu.memory_space<hbm>> -> memref<16xf32, #tpu.memory_space<hbm>>
      %dma_start3A_147 = arith.constant 128 : i32
      %dma_start3A_148 = tpu.memref_slice %arg13[%dma_start3A_147] : memref<160xf32, #tpu.memory_space<vmem>> -> memref<16xf32, #tpu.memory_space<vmem>>
      tpu.enqueue_dma source(%dma_start3A_148 : memref<16xf32, #tpu.memory_space<vmem>>) target(%dma_start3A_146 : memref<16xf32, #tpu.memory_space<hbm>>) target_semaphore(%run_scoped3A_140 : memref<!tpu.dma_semaphore, #tpu.memory_space<semaphore_mem>>)
      %dma_wait3A = arith.constant 128 : i32
      %dma_wait3A_149 = tpu.memref_slice %arg13[%dma_wait3A] : memref<160xf32, #tpu.memory_space<vmem>> -> memref<16xf32, #tpu.memory_space<vmem>>
      %dma_wait3A_150 = tpu.memref_slice %arg7[%run_scoped3A_133, %mul3A_132] : memref<10x512xf32, #tpu.memory_space<hbm>> -> memref<1x16xf32, #tpu.memory_space<hbm>>
      %dma_wait3A_151 = tpu.memref_squeeze %dma_wait3A_150 : memref<1x16xf32, #tpu.memory_space<hbm>> -> memref<16xf32, #tpu.memory_space<hbm>>
      %dma_wait3A_152 = tpu.memref_slice %arg7[%run_scoped3A_133, %mul3A_132] : memref<10x512xf32, #tpu.memory_space<hbm>> -> memref<1x16xf32, #tpu.memory_space<hbm>>
      %dma_wait3A_153 = tpu.memref_squeeze %dma_wait3A_152 : memref<1x16xf32, #tpu.memory_space<hbm>> -> memref<16xf32, #tpu.memory_space<hbm>>
      %dma_wait3A_154 = arith.constant 128 : i32
      %dma_wait3A_155 = tpu.memref_slice %arg13[%dma_wait3A_154] : memref<160xf32, #tpu.memory_space<vmem>> -> memref<16xf32, #tpu.memory_space<vmem>>
      tpu.wait_dma2 semaphore(%run_scoped3A_140 : memref<!tpu.dma_semaphore, #tpu.memory_space<semaphore_mem>>) src(%dma_wait3A_155 : memref<16xf32, #tpu.memory_space<vmem>>) dst(%dma_wait3A_153 : memref<16xf32, #tpu.memory_space<hbm>>)
      tpu.yield
    }) : () -> ()
    %mul3A_134 = arith.constant 16 : i32
    %mul3A_135 = arith.muli %add3A, %mul3A_134 : i32
    %run_scoped3A_136 = arith.constant 9 : i32
    "tpu.region"() ({
      %run_scoped3A_140 = tpu.sem_alloc : memref<!tpu.dma_semaphore, #tpu.memory_space<semaphore_mem>>
      %dma_start3A_141 = arith.constant 144 : i32
      %dma_start3A_142 = tpu.memref_slice %arg12[%dma_start3A_141] : memref<160xi32, #tpu.memory_space<vmem>> -> memref<16xi32, #tpu.memory_space<vmem>>
      %dma_start3A_143 = tpu.memref_slice %arg6[%run_scoped3A_136, %mul3A_135] : memref<10x512xi32, #tpu.memory_space<hbm>> -> memref<1x16xi32, #tpu.memory_space<hbm>>
      %dma_start3A_144 = tpu.memref_squeeze %dma_start3A_143 : memref<1x16xi32, #tpu.memory_space<hbm>> -> memref<16xi32, #tpu.memory_space<hbm>>
      %dma_start3A_145 = tpu.memref_slice %arg6[%run_scoped3A_136, %mul3A_135] : memref<10x512xi32, #tpu.memory_space<hbm>> -> memref<1x16xi32, #tpu.memory_space<hbm>>
      %dma_start3A_146 = tpu.memref_squeeze %dma_start3A_145 : memref<1x16xi32, #tpu.memory_space<hbm>> -> memref<16xi32, #tpu.memory_space<hbm>>
      %dma_start3A_147 = arith.constant 144 : i32
      %dma_start3A_148 = tpu.memref_slice %arg12[%dma_start3A_147] : memref<160xi32, #tpu.memory_space<vmem>> -> memref<16xi32, #tpu.memory_space<vmem>>
      tpu.enqueue_dma source(%dma_start3A_148 : memref<16xi32, #tpu.memory_space<vmem>>) target(%dma_start3A_146 : memref<16xi32, #tpu.memory_space<hbm>>) target_semaphore(%run_scoped3A_140 : memref<!tpu.dma_semaphore, #tpu.memory_space<semaphore_mem>>)
      %dma_wait3A = arith.constant 144 : i32
      %dma_wait3A_149 = tpu.memref_slice %arg12[%dma_wait3A] : memref<160xi32, #tpu.memory_space<vmem>> -> memref<16xi32, #tpu.memory_space<vmem>>
      %dma_wait3A_150 = tpu.memref_slice %arg6[%run_scoped3A_136, %mul3A_135] : memref<10x512xi32, #tpu.memory_space<hbm>> -> memref<1x16xi32, #tpu.memory_space<hbm>>
      %dma_wait3A_151 = tpu.memref_squeeze %dma_wait3A_150 : memref<1x16xi32, #tpu.memory_space<hbm>> -> memref<16xi32, #tpu.memory_space<hbm>>
      %dma_wait3A_152 = tpu.memref_slice %arg6[%run_scoped3A_136, %mul3A_135] : memref<10x512xi32, #tpu.memory_space<hbm>> -> memref<1x16xi32, #tpu.memory_space<hbm>>
      %dma_wait3A_153 = tpu.memref_squeeze %dma_wait3A_152 : memref<1x16xi32, #tpu.memory_space<hbm>> -> memref<16xi32, #tpu.memory_space<hbm>>
      %dma_wait3A_154 = arith.constant 144 : i32
      %dma_wait3A_155 = tpu.memref_slice %arg12[%dma_wait3A_154] : memref<160xi32, #tpu.memory_space<vmem>> -> memref<16xi32, #tpu.memory_space<vmem>>
      tpu.wait_dma2 semaphore(%run_scoped3A_140 : memref<!tpu.dma_semaphore, #tpu.memory_space<semaphore_mem>>) src(%dma_wait3A_155 : memref<16xi32, #tpu.memory_space<vmem>>) dst(%dma_wait3A_153 : memref<16xi32, #tpu.memory_space<hbm>>)
      tpu.yield
    }) : () -> ()
    %mul3A_137 = arith.constant 16 : i32
    %mul3A_138 = arith.muli %add3A, %mul3A_137 : i32
    %run_scoped3A_139 = arith.constant 9 : i32
    "tpu.region"() ({
      %run_scoped3A_140 = tpu.sem_alloc : memref<!tpu.dma_semaphore, #tpu.memory_space<semaphore_mem>>
      %dma_start3A_141 = arith.constant 144 : i32
      %dma_start3A_142 = tpu.memref_slice %arg13[%dma_start3A_141] : memref<160xf32, #tpu.memory_space<vmem>> -> memref<16xf32, #tpu.memory_space<vmem>>
      %dma_start3A_143 = tpu.memref_slice %arg7[%run_scoped3A_139, %mul3A_138] : memref<10x512xf32, #tpu.memory_space<hbm>> -> memref<1x16xf32, #tpu.memory_space<hbm>>
      %dma_start3A_144 = tpu.memref_squeeze %dma_start3A_143 : memref<1x16xf32, #tpu.memory_space<hbm>> -> memref<16xf32, #tpu.memory_space<hbm>>
      %dma_start3A_145 = tpu.memref_slice %arg7[%run_scoped3A_139, %mul3A_138] : memref<10x512xf32, #tpu.memory_space<hbm>> -> memref<1x16xf32, #tpu.memory_space<hbm>>
      %dma_start3A_146 = tpu.memref_squeeze %dma_start3A_145 : memref<1x16xf32, #tpu.memory_space<hbm>> -> memref<16xf32, #tpu.memory_space<hbm>>
      %dma_start3A_147 = arith.constant 144 : i32
      %dma_start3A_148 = tpu.memref_slice %arg13[%dma_start3A_147] : memref<160xf32, #tpu.memory_space<vmem>> -> memref<16xf32, #tpu.memory_space<vmem>>
      tpu.enqueue_dma source(%dma_start3A_148 : memref<16xf32, #tpu.memory_space<vmem>>) target(%dma_start3A_146 : memref<16xf32, #tpu.memory_space<hbm>>) target_semaphore(%run_scoped3A_140 : memref<!tpu.dma_semaphore, #tpu.memory_space<semaphore_mem>>)
      %dma_wait3A = arith.constant 144 : i32
      %dma_wait3A_149 = tpu.memref_slice %arg13[%dma_wait3A] : memref<160xf32, #tpu.memory_space<vmem>> -> memref<16xf32, #tpu.memory_space<vmem>>
      %dma_wait3A_150 = tpu.memref_slice %arg7[%run_scoped3A_139, %mul3A_138] : memref<10x512xf32, #tpu.memory_space<hbm>> -> memref<1x16xf32, #tpu.memory_space<hbm>>
      %dma_wait3A_151 = tpu.memref_squeeze %dma_wait3A_150 : memref<1x16xf32, #tpu.memory_space<hbm>> -> memref<16xf32, #tpu.memory_space<hbm>>
      %dma_wait3A_152 = tpu.memref_slice %arg7[%run_scoped3A_139, %mul3A_138] : memref<10x512xf32, #tpu.memory_space<hbm>> -> memref<1x16xf32, #tpu.memory_space<hbm>>
      %dma_wait3A_153 = tpu.memref_squeeze %dma_wait3A_152 : memref<1x16xf32, #tpu.memory_space<hbm>> -> memref<16xf32, #tpu.memory_space<hbm>>
      %dma_wait3A_154 = arith.constant 144 : i32
      %dma_wait3A_155 = tpu.memref_slice %arg13[%dma_wait3A_154] : memref<160xf32, #tpu.memory_space<vmem>> -> memref<16xf32, #tpu.memory_space<vmem>>
      tpu.wait_dma2 semaphore(%run_scoped3A_140 : memref<!tpu.dma_semaphore, #tpu.memory_space<semaphore_mem>>) src(%dma_wait3A_155 : memref<16xf32, #tpu.memory_space<vmem>>) dst(%dma_wait3A_153 : memref<16xf32, #tpu.memory_space<hbm>>)
      tpu.yield
    }) : () -> ()
    return
  }
}

module attributes {stable_mosaic.version = 14 : i64} {
  func.func @_tc_finalize_body(%arg0: memref<10x512xi32, #tpu.memory_space<vmem>>, %arg1: memref<10x512xf32, #tpu.memory_space<vmem>>, %arg2: memref<1x128xf32, #tpu.memory_space<vmem>>, %arg3: memref<10x128xi32, #tpu.memory_space<vmem>>, %arg4: memref<10x128xf32, #tpu.memory_space<vmem>>, %arg5: memref<10x128xi32, #tpu.memory_space<vmem>>) attributes {dimension_semantics = [], scalar_prefetch = 0 : i64, scratch_operands = 0 : i64, tpu.core_type = #tpu.core_type<tc>} {
    %get3A = arith.constant 0 : index
    %get3A_0 = arith.constant 0 : index
    %get3A_1 = vector.load %arg0[%get3A, %get3A_0] : memref<10x512xi32, #tpu.memory_space<vmem>>, vector<10x512xi32>
    %get3A_2 = arith.constant 0 : index
    %get3A_3 = arith.constant 0 : index
    %get3A_4 = vector.load %arg1[%get3A_2, %get3A_3] : memref<10x512xf32, #tpu.memory_space<vmem>>, vector<10x512xf32>
    %and3A = arith.constant 65535 : i32
    %and3A_5 = vector.broadcast %and3A : i32 to vector<10x512xi32>
    %and3A_6 = arith.andi %get3A_1, %and3A_5 : vector<10x512xi32>
    %shift_right_logical3A = arith.constant 16 : i32
    %shift_right_logical3A_7 = vector.broadcast %shift_right_logical3A : i32 to vector<10x512xi32>
    %shift_right_logical3A_8 = arith.shrui %get3A_1, %shift_right_logical3A_7 : vector<10x512xi32>
    %reduce_sum3A = arith.constant dense<0> : vector<10xi32>
    %reduce_sum3A_9 = vector.multi_reduction <add>, %and3A_6, %reduce_sum3A [1] : vector<10x512xi32> to vector<10xi32>
    %broadcast_in_dim3A = vector.shape_cast %reduce_sum3A_9 : vector<10xi32> to vector<10x1xi32>
    %reduce_sum3A_10 = arith.constant dense<0> : vector<10xi32>
    %reduce_sum3A_11 = vector.multi_reduction <add>, %shift_right_logical3A_8, %reduce_sum3A_10 [1] : vector<10x512xi32> to vector<10xi32>
    %broadcast_in_dim3A_12 = vector.shape_cast %reduce_sum3A_11 : vector<10xi32> to vector<10x1xi32>
    %reduce_sum3A_13 = arith.constant dense<0.000000e+00> : vector<10xf32>
    %reduce_sum3A_14 = vector.multi_reduction <add>, %get3A_4, %reduce_sum3A_13 [1] : vector<10x512xf32> to vector<10xf32>
    %broadcast_in_dim3A_15 = vector.shape_cast %reduce_sum3A_14 : vector<10xf32> to vector<10x1xf32>
    %reduce_sum3A_16 = vector.shape_cast %broadcast_in_dim3A : vector<10x1xi32> to vector<1x10x1xi32>
    %reduce_sum3A_17 = arith.constant dense<0> : vector<1xi32>
    %reduce_sum3A_18 = vector.multi_reduction <add>, %reduce_sum3A_16, %reduce_sum3A_17 [1, 2] : vector<1x10x1xi32> to vector<1xi32>
    %reduce_sum3A_19 = vector.shape_cast %reduce_sum3A_18 : vector<1xi32> to vector<1x1x1xi32>
    %reduce_sum3A_20 = vector.extract %reduce_sum3A_19[0, 0, 0] : i32 from vector<1x1x1xi32>
    %convert_element_type3A = arith.sitofp %broadcast_in_dim3A : vector<10x1xi32> to vector<10x1xf32>
    %convert_element_type3A_21 = arith.sitofp %reduce_sum3A_20 : i32 to f32
    %div3A = vector.broadcast %convert_element_type3A_21 : f32 to vector<10x1xf32>
    %div3A_22 = arith.divf %convert_element_type3A, %div3A : vector<10x1xf32>
    %max3A = arith.constant 1.000000e+00 : f32
    %max3A_23 = vector.broadcast %max3A : f32 to vector<10x1xf32>
    %max3A_24 = arith.maximumf %convert_element_type3A, %max3A_23 : vector<10x1xf32>
    %gt3A = arith.constant 0 : i32
    %gt3A_25 = vector.broadcast %gt3A : i32 to vector<10x1xi32>
    %gt3A_26 = arith.cmpi sgt, %broadcast_in_dim3A, %gt3A_25 : vector<10x1xi32>
    %convert_element_type3A_27 = arith.sitofp %broadcast_in_dim3A_12 : vector<10x1xi32> to vector<10x1xf32>
    %div3A_28 = arith.divf %convert_element_type3A_27, %max3A_24 : vector<10x1xf32>
    %jit3A = arith.constant 0.000000e+00 : f32
    %broadcast_in_dim3A_29 = vector.broadcast %jit3A : f32 to vector<10x1xf32>
    %select_n3A = arith.select %gt3A_26, %div3A_28, %broadcast_in_dim3A_29 : vector<10x1xi1>, vector<10x1xf32>
    %div3A_30 = arith.divf %broadcast_in_dim3A_15, %max3A_24 : vector<10x1xf32>
    %jit3A_31 = arith.constant 0.000000e+00 : f32
    %broadcast_in_dim3A_32 = vector.broadcast %jit3A_31 : f32 to vector<10x1xf32>
    %select_n3A_33 = arith.select %gt3A_26, %div3A_30, %broadcast_in_dim3A_32 : vector<10x1xi1>, vector<10x1xf32>
    %sub3A = arith.subf %select_n3A_33, %select_n3A : vector<10x1xf32>
    %abs3A = math.absf %sub3A : vector<10x1xf32>
    %mul3A = arith.mulf %abs3A, %div3A_22 : vector<10x1xf32>
    %reduce_sum3A_34 = vector.shape_cast %mul3A : vector<10x1xf32> to vector<1x10x1xf32>
    %reduce_sum3A_35 = arith.constant dense<0.000000e+00> : vector<1xf32>
    %reduce_sum3A_36 = vector.multi_reduction <add>, %reduce_sum3A_34, %reduce_sum3A_35 [1, 2] : vector<1x10x1xf32> to vector<1xf32>
    %reduce_sum3A_37 = vector.shape_cast %reduce_sum3A_36 : vector<1xf32> to vector<1x1x1xf32>
    %reduce_sum3A_38 = vector.extract %reduce_sum3A_37[0, 0, 0] : f32 from vector<1x1x1xf32>
    %broadcast_in_dim3A_39 = vector.broadcast %reduce_sum3A_38 : f32 to vector<1x128xf32>
    %swap3A = arith.constant 0 : index
    %swap3A_40 = arith.constant 0 : index
    %swap3A_41 = vector.load %arg2[%swap3A, %swap3A_40] : memref<1x128xf32, #tpu.memory_space<vmem>>, vector<1x128xf32>
    tpu.vector_store %arg2[%swap3A, %swap3A_40], %broadcast_in_dim3A_39 {strides = array<i32>} : memref<1x128xf32, #tpu.memory_space<vmem>>, vector<1x128xf32>,
    %broadcast_in_dim3A_42 = vector.shape_cast %broadcast_in_dim3A_12 : vector<10x1xi32> to vector<10x1xi32>
    %broadcast_in_dim3A_43 = vector.broadcast %broadcast_in_dim3A_42 : vector<10x1xi32> to vector<10x128xi32>
    %swap3A_44 = arith.constant 0 : index
    %swap3A_45 = arith.constant 0 : index
    %swap3A_46 = vector.load %arg3[%swap3A_44, %swap3A_45] : memref<10x128xi32, #tpu.memory_space<vmem>>, vector<10x128xi32>
    tpu.vector_store %arg3[%swap3A_44, %swap3A_45], %broadcast_in_dim3A_43 {strides = array<i32>} : memref<10x128xi32, #tpu.memory_space<vmem>>, vector<10x128xi32>,
    %broadcast_in_dim3A_47 = vector.shape_cast %broadcast_in_dim3A_15 : vector<10x1xf32> to vector<10x1xf32>
    %broadcast_in_dim3A_48 = vector.broadcast %broadcast_in_dim3A_47 : vector<10x1xf32> to vector<10x128xf32>
    %swap3A_49 = arith.constant 0 : index
    %swap3A_50 = arith.constant 0 : index
    %swap3A_51 = vector.load %arg4[%swap3A_49, %swap3A_50] : memref<10x128xf32, #tpu.memory_space<vmem>>, vector<10x128xf32>
    tpu.vector_store %arg4[%swap3A_49, %swap3A_50], %broadcast_in_dim3A_48 {strides = array<i32>} : memref<10x128xf32, #tpu.memory_space<vmem>>, vector<10x128xf32>,
    %broadcast_in_dim3A_52 = vector.shape_cast %broadcast_in_dim3A : vector<10x1xi32> to vector<10x1xi32>
    %broadcast_in_dim3A_53 = vector.broadcast %broadcast_in_dim3A_52 : vector<10x1xi32> to vector<10x128xi32>
    %swap3A_54 = arith.constant 0 : index
    %swap3A_55 = arith.constant 0 : index
    %swap3A_56 = vector.load %arg5[%swap3A_54, %swap3A_55] : memref<10x128xi32, #tpu.memory_space<vmem>>, vector<10x128xi32>
    tpu.vector_store %arg5[%swap3A_54, %swap3A_55], %broadcast_in_dim3A_53 {strides = array<i32>} : memref<10x128xi32, #tpu.memory_space<vmem>>, vector<10x128xi32>,
    return
  }
}

</mosaic_0001>

<sc_bundles>
// kernel: kernel.4.cloned.1.call-start
scs
__scs_entry_jumppad:
0x0: {  	(pc) =	sbr.rel $0x88, $3  }
0x1: {  	(tag) =	ssettag $0x0;
	lr =	simm.s32 $0x1  }
0x2: {  	[smem:$0x3F9E] =	sst lr;
	_ =	strace $0xD0000000  }
0x3: {  	_ = 	snop  }
0x4: {  	_ = 	snop  }
0x5: {  	_ = 	snop  }
0x6: {  	_ = 	snop  }
0x7: {  	_ = 	snop  }
__scs_overlays_trampoline_lowered:
0x8: {  	[smem:$0x3FAD] =	sst s0  }
0x9: {  	[smem:$0x3FAE] =	sst s1  }
0xa: {  	[smem:$0x3FAF] =	sst s2  }
0xb: {  	[smem:$0x3FB0] =	sst s3  }
0xc: {  	[smem:$0x3FB1] =	sst s4  }
0xd: {  	[smem:$0x3FB2] =	sst s5  }
0xe: {  	[smem:$0x3FB3] =	sst s6  }
0xf: {  	[smem:$0x3FB4] =	sst s7  }
0x10: {  	[smem:$0x3FB5] =	sst s8  }
0x11: {  	[smem:$0x3FB6] =	sst s9;
	s0 =	simm.s32 @!p0 $0x0  }
0x12: {  	s1 =	sld [smem:$0x3F9C];
	s0 =	simm.s32 @p0 $0x1  }
0x13: {  	[smem:$0x3FB7] =	sst s0;
	s0 =	simm.s32 @!p1 $0x0  }
0x14: {  	s2 =	sld [smem:$0x3F9B];
	s0 =	simm.s32 @p1 $0x1  }
0x15: {  	[smem:$0x3FB8] =	sst s0;
	s0 =	simm.s32 @!p2 $0x0  }
0x16: {  	s3 =	sld [smem:$0x3FDB];
	s0 =	simm.s32 @p2 $0x1  }
0x17: {  	s4 =	simm.s32 $0x1BF5;
	[smem:$0x3FBA] =	sst s0  }
0x18: {  	s0 =	sld [smem:$0x3F9D];
	_ =	swait.ge [sflag:s4], $0x0  }
0x19: {  	s7 =	sld [smem:$0x3F9E]  }
0x1a: {  	s8 =	sadd.s32 $0xFFFFE003, lr  }
0x1b: {  	s9 =	sadd.s32 $0xFFFFFEF7, lr;
	s5 =	simm.s32 $0xFFFFFFFF;
	p2 =	slt.u32 s8, $0xFFFFF086  }
0x1c: {  	p1 =	slt.u32 s9, $0xF7A;
	s5 =	simm.s32 @!p2 $0x0  }
0x1d: {  	s5 =	simm.s32 @p1 $0x1;
	p0 =	seq.s32 s7, s2  }
0x1e: {  	s7 =	smul.u32 @!p0 $0xF7A, s2;
	p2 =	seq.s32 @!p0 s5, $0x0  }
0x1f: {  	s9 =	smul.u32 $0xF7A, s1;
	s8 =	simm.s32 @!p0 $0x1BF5;
	p2 =	por !p2, p0  }
0x20: {  	[sflag:s8] =	ssyncset.s32 @!p0 $0xFFFFF086;
	s6 =	sadd.s32 @!p0 s3, s7;
	s7 =	simm.s32 @!p0 $0x108  }
0x21: {  	s3 =	sadd.s32 s3, s9;
	s6 =	sadd.s32 @!p0 $0x88, s6;
	s7 =	simm.s32 @p2 $0x1082  }
0x22: {  	[simem:s7], [sflag:s8] =	dma.local @!p0 [hbm:s6], $0xF7A  }
0x23: {  	s9 =	sor.u32 $0xD0000000, s2;
	s6 =	simm.s32 $0x108;
	_ =	swait.ge @!p0 [sflag:s8], $0x0  }
0x24: {  	s3 =	sadd.s32 $0x88, s3;
	s6 =	simm.s32 @!p1 $0x1082;
	[sflag:s4] =	ssyncset.s32 $0xFFFFF086  }
0x25: {  	[simem:s6], [sflag:s4] =	dma.local [hbm:s3], $0xF7A  }
0x26: {  	[smem:$0x3F9E] =	sst s1;
	(tag) =	ssettag s2;
	_ =	strace s9  }
0x27: {  	s1 =	sld [smem:$0x3FAE]  }
0x28: {  	s2 =	sld [smem:$0x3FAF]  }
0x29: {  	s4 =	sld [smem:$0x3FB1]  }
0x2a: {  	p0 =	seq.s32 s5, $0x0;
	s5 =	sld [smem:$0x3FB2]  }
0x2b: {  	s6 =	sld [smem:$0x3FB3]  }
0x2c: {  	s7 =	sld [smem:$0x3FB4]  }
0x2d: {  	s3 =	simm.s32 $0x108;
	s8 =	sld [smem:$0x3FB5]  }
0x2e: {  	s3 =	simm.s32 @!p0 $0x1082;
	s9 =	sld [smem:$0x3FB6]  }
0x2f: {  	lr =	sadd.s32 s0, s3;
	s0 =	sld [smem:$0x3FAD]  }
0x30: {  	s3 =	sld [smem:$0x3FB0]  }
0x31: {  	[smem:$0x3FB9] =	sst s10  }
0x32: {  	s10 =	sld [smem:$0x3FB7];
	_ =	sdelay $0x3  }
0x33: {  	p0 =	seq.s32 s10, $0x1;
	s10 =	sld [smem:$0x3FB9];
	_ =	sdelay $0x3  }
0x34: {  	[smem:$0x3FB9] =	sst s10  }
0x35: {  	s10 =	sld [smem:$0x3FB8];
	_ =	sdelay $0x3  }
0x36: {  	p1 =	seq.s32 s10, $0x1;
	s10 =	sld [smem:$0x3FB9];
	_ =	sdelay $0x3  }
0x37: {  	[smem:$0x3FB9] =	sst s10  }
0x38: {  	s10 =	sld [smem:$0x3FBA]  }
0x39: {  	_ = 	snop;
	(pc) =	sbr.ind lr, $3  }
0x3a: {  	_ = 	snop  }
0x3b: {  	_ = 	snop  }
0x3c: {  	p2 =	seq.s32 s10, $0x1;
	s10 =	sld [smem:$0x3FB9]  }
0x3d: {  	_ =	shalt  }
0x3e: {  	_ =	shalt  }
0x3f: {  	_ =	shalt  }
0x40: {  	_ =	shalt  }
0x41: {  	_ =	shalt  }
0x42: {  	_ =	shalt  }
0x43: {  	_ =	shalt  }
0x44: {  	_ =	shalt  }
0x45: {  	_ =	shalt  }
0x46: {  	_ =	shalt  }
0x47: {  	_ =	shalt  }
0x48: {  	_ =	shalt  }
0x49: {  	_ =	shalt  }
0x4a: {  	_ =	shalt  }
0x4b: {  	_ =	shalt  }
0x4c: {  	_ =	shalt  }
0x4d: {  	_ =	shalt  }
0x4e: {  	_ =	shalt  }
0x4f: {  	_ =	shalt  }
0x50: {  	_ =	shalt  }
0x51: {  	_ =	shalt  }
0x52: {  	_ =	shalt  }
0x53: {  	_ =	shalt  }
0x54: {  	_ =	shalt  }
0x55: {  	_ =	shalt  }
0x56: {  	_ =	shalt  }
0x57: {  	_ =	shalt  }
0x58: {  	_ =	shalt  }
0x59: {  	_ =	shalt  }
0x5a: {  	_ =	shalt  }
0x5b: {  	_ =	shalt  }
0x5c: {  	_ =	shalt  }
0x5d: {  	_ =	shalt  }
0x5e: {  	_ =	shalt  }
0x5f: {  	_ =	shalt  }
0x60: {  	_ =	shalt  }
0x61: {  	_ =	shalt  }
0x62: {  	_ =	shalt  }
0x63: {  	_ =	shalt  }
0x64: {  	_ =	shalt  }
0x65: {  	_ =	shalt  }
0x66: {  	_ =	shalt  }
0x67: {  	_ =	shalt  }
0x68: {  	_ =	shalt  }
0x69: {  	_ =	shalt  }
0x6a: {  	_ =	shalt  }
0x6b: {  	_ =	shalt  }
0x6c: {  	_ =	shalt  }
0x6d: {  	_ =	shalt  }
0x6e: {  	_ =	shalt  }
0x6f: {  	_ =	shalt  }
0x70: {  	_ =	shalt  }
0x71: {  	_ =	shalt  }
0x72: {  	_ =	shalt  }
0x73: {  	_ =	shalt  }
0x74: {  	_ =	shalt  }
0x75: {  	_ =	shalt  }
0x76: {  	_ =	shalt  }
0x77: {  	_ =	shalt  }
0x78: {  	_ =	shalt  }
0x79: {  	_ =	shalt  }
0x7a: {  	_ =	shalt  }
0x7b: {  	_ =	shalt  }
0x7c: {  	_ =	shalt  }
0x7d: {  	_ =	shalt  }
0x7e: {  	_ =	shalt  }
0x7f: {  	_ =	shalt  }
0x80: {  	_ =	shalt  }
0x81: {  	_ =	shalt  }
0x82: {  	_ =	shalt  }
0x83: {  	_ =	shalt  }
0x84: {  	_ =	shalt  }
0x85: {  	_ =	shalt  }
0x86: {  	_ =	shalt  }
0x87: {  	_ =	shalt  }
.Lfunc_end0:
.L_simem_size_0:
called_computation_lowered:
.L_overlay_start_0:
0x88: {  	s2 =	sld [smem:$0x3FD9]  }
0x89: {  	s3 =	sld [smem:$0x3FFE];
	_ =	sdelay $0x1  }
0x8a: {  	s1 =	srdreg.scid  }
0x8b: {  	s0 =	sand.u32 $0x1, s1  }
0x8c: {  	s14 =	sshll.u32 s0, $0xA;
	s2 =	sadd.s32 s3, s2  }
0x8d: {  	s2 =	sadd.s32 s2, s14  }
0x8e: {  	[smem:$0x3FC5] =	sst s2  }
0x8f: {  	_ = 	snop  }
0x90: {  	s2 =	sld [smem:$0x3FD0]  }
0x91: {  	s15 =	sld [smem:$0x3FC9]  }
0x92: {  	s4 =	sld [smem:$0x3FC8]  }
0x93: {  	s6 =	simm.s32 $0xA;
	s7 =	simm.s32 $0x10;
	s5 =	sld [smem:$0x3FC7]  }
0x94: {  	[smem:s7], [sflag:s6] =	dma.local [hbm:s2], $0x1  }
0x95: {  	_ =	swait.eq [sflag:s6], $0x1  }
0x96: {  	[sflag:s6] =	ssyncset.done $0x0  }
0x97: {  	[sflag:s6] =	ssyncadd.s32 $0xFFFFFFFF  }
0x98: {  	s16 =	sld [smem:$0x12];
	(tm) =	ssettm $0x1  }
0x99: {  	s17 =	sld [smem:$0x3FFB];
	_ =	sdelay $0x3  }
0x9a: {  	_ =	strace s17  }
0x9b: {  	s6 =	sld [smem:$0x3FFC];
	_ =	sdelay $0x3  }
0x9c: {  	_ =	strace s6  }
0x9d: {  	s6 =	sld [smem:$0x3FFD];
	_ =	sdelay $0x3  }
0x9e: {  	_ =	strace s6  }
0x9f: {  	_ =	strace $0x8FFFFFFF  }
0xa0: {  	s18 =	sld [smem:$0x3FDB];
	_ =	sdelay $0x1  }
0xa1: {  	s19 =	simm.s32 $_scs_section_size  }
0xa2: {  	s8 =	simm.s32 $_size__tile_overlayer_lowered;
	s9 =	simm.s32 $_tile_overlayer_lowered  }
0xa3: {  	s22 =	simm.s32 $0x1BFF;
	s21 =	sshll.u32 s9, $0x1;
	s6 =	sadd.s32 s19, s18  }
0xa4: {  	s10 =	simm.s32 $0x0;
	s20 =	sshll.u32 s8, $0x1;
	s8 =	sadd.s32 s21, s6  }
0xa5: {  	[timem:s10], [sflag:s22] =	dma.local [hbm:s8], s20  }
0xa6: {  	_ =	swait.ge [sflag:s22], s20  }
0xa7: {  	s7 =	ssub.s32 $0x0, s20;
	[sflag:s22] =	ssyncset.done $0x0  }
0xa8: {  	[sflag:s22] =	ssyncadd.s32 s7;
	_ =	sdelay $0x1  }
0xa9: {  	s23 =	simm.s32 $0x1B8B  }
0xaa: {  	_ =	swait.ge [sflag:s23], $0x1  }
0xab: {  	[sflag:s23] =	ssyncset.done $0x0  }
0xac: {  	s25 =	simm.s32 $0x1B8E;
	s24 =	sld [smem:$0x3FFE];
	[sflag:s23] =	ssyncadd.s32 $0xFFFFFFFF  }
0xad: {  	s26 =	simm.s32 $execute0_lowered;
	[smem:$0x3FD2] =	sst s25  }
0xae: {  	s8 =	sshll.u32 s26, $0x1;
	_ =	strace $0x80000046;
	[dreg:$0x1] =	wrdreg $0xFFFFFFFF  }
0xaf: {  	s28 =	simm.s32 $_size_execute0_lowered;
	s6 =	sadd.s32 s6, s8;
	[dreg:$0x0] =	wrdreg $0x0  }
0xb0: {  	s8 =	sshll.u32 s28, $0x1;
	[dreg:$0x2] =	wrdreg s6  }
0xb1: {  	[dreg:$0x3] =	wrdreg s8  }
0xb2: {  	[dreg:$0x4] =	wrdreg $0xC0  }
0xb3: {  	_ =	task [dreg:s10], $0x5FFFF  }
0xb4: {  	[dreg:$0x1] =	wrdreg $0xFFFFFFFF  }
0xb5: {  	[dreg:$0x0] =	wrdreg $0x60  }
0xb6: {  	[dreg:$0x2] =	wrdreg s15  }
0xb7: {  	[dreg:$0x3] =	wrdreg s4  }
0xb8: {  	[dreg:$0x4] =	wrdreg s5  }
0xb9: {  	[dreg:$0x5] =	wrdreg s16  }
0xba: {  	[dreg:$0x6] =	wrdreg s24  }
0xbb: {  	[dreg:$0x7] =	wrdreg $0x9  }
0xbc: {  	_ =	task.clear_ibuf [dreg:s10], $0x8FFFF;
	_ =	strace $0x90000046  }
0xbd: {  	s29 =	simm.s32 $0x9;
	_ =	strace $0x80000048  }
0xbe: {  	_ =	swait.ge [sflag:s29], $0x1  }
0xbf: {  	[sflag:s29] =	ssyncadd.s32 $0xFFFFFFFF  }
0xc0: {  	_ =	strace $0x90000048  }
0xc1: {  	_ =	sfence  }
0xc2: {  	s30 =	sld [smem:$0x0];
	_ =	sdelay $0x2  }
0xc3: {  	s31 =	sshll.u32 s1, $0xD;
	s1 =	sshrl.u32 s1, $0x2  }
0xc4: {  	s3 =	sand.u32 $0x4000, s31;
	s1 =	sadd.s32 s1, s30  }
0xc5: {  	s0 =	sor.u32 s3, s0;
	s1 =	sshll.u32 s1, $0x11  }
0xc6: {  	s0 =	sor.u32 s1, s0  }
0xc7: {  	s0 =	sadd.s32 $0x8F2B, s0  }
0xc8: {  	[sflag:s0] =	ssyncadd.remote.s32 $0x1  }
0xc9: {  	_ =	sfence.sel $0xFFFF  }
0xca: {  	[dreg:$0x0] =	wrdreg $0xFFFFFFFF;
	(pc) =	sbr.abs _section_cstart, $3  }
0xcb: {  	[dreg:$0x1] =	wrdreg $0xFFFFFFFF  }
0xcc: {  	_ =	task.clear_ibuf [dreg:s10], $0x2FFFF;
	_ =	strace $0x9FFFFFFF  }
0xcd: {  	(tm) =	ssettm $0x7FFFFFFF  }
tec
execute0_lowered:
.L_overlay_start_1:
0x0: {  	(tag) =	ssettag $0x1  }
0x1: {  	s1 =	rddreg [dreg:$0x0]  }
0x2: {  	s2 =	rddreg [dreg:$0x1]  }
0x3: {  	s3 =	rddreg [dreg:$0x2]  }
0x4: {  	s0 =	srdreg.scid;
	s4 =	stileid.u32  }
0x5: {  	s5 =	rddreg [dreg:$0x4];
	s0 =	sand.u32 $0x1, s0;
	s6 =	sshll.u32 s4, $0x1  }
0x6: {  	s4 =	simm.s32 $0x0;
	s9 =	sadd.s32 $0x400, s5;
	s7 =	ssub.s32 $0x2, s0  }
0x7: {  	s0 =	sor.u32 s0, s6;
	[smem:$0x7FF] =	sst s4;
	s24 =	sshrl.u32 s7, $0x1  }
0x8: {  	s8 =	sshll.u32 s0, $0x1;
	s28 =	sshll.u32 s0, $0x12;
	s0 =	sshll.u32 s0, $0xF  }
0x9: {  	s6 =	ssub.s32 s7, s24;
	s25 =	sor.u32 $0x40, s8;
	s26 =	sor.u32 $0x80, s8  }
0xa: {  	s12 =	sor.u32 $0xC0, s8;
	s14 =	sor.u32 $0x100, s8;
	s24 =	sadd.s32 s9, s8  }
0xb: {  	s16 =	sor.u32 $0x140, s8;
	s10 =	sadd.s32 s9, s25;
	[dreg:$0x16] =	wrdreg s24  }
0xc: {  	s18 =	sor.u32 $0x180, s8;
	s7 =	sadd.s32 s5, s25;
	[dreg:$0x6] =	wrdreg s10  }
0xd: {  	s20 =	sor.u32 $0x1C0, s8;
	s11 =	sadd.s32 s9, s26;
	[dreg:$0x7] =	wrdreg s7  }
0xe: {  	s22 =	sor.u32 $0x200, s8;
	s13 =	sadd.s32 s9, s12;
	[dreg:$0x8] =	wrdreg s11  }
0xf: {  	s29 =	sadd.s32 s1, s0;
	s15 =	sadd.s32 s9, s14;
	[dreg:$0xa] =	wrdreg s13  }
0x10: {  	s30 =	sadd.s32 s2, s0;
	s17 =	sadd.s32 s9, s16;
	[dreg:$0xc] =	wrdreg s15  }
0x11: {  	s31 =	sadd.s32 s3, s0;
	s19 =	sadd.s32 s9, s18;
	[dreg:$0xe] =	wrdreg s17  }
0x12: {  	s0 =	sor.u32 $0x8000, s28;
	s21 =	sadd.s32 s9, s20;
	[dreg:$0x10] =	wrdreg s19  }
0x13: {  	s23 =	sadd.s32 s9, s22;
	s25 =	sadd.s32 s5, s8;
	[dreg:$0x12] =	wrdreg s21  }
0x14: {  	s24 =	simm.s32 $0x7;
	s7 =	sadd.s32 s5, s26;
	[dreg:$0x14] =	wrdreg s23  }
0x15: {  	[dreg:$0x17] =	wrdreg s25;
	s26 =	sor.u32 $0x240, s8;
	s21 =	smax.u32 s6, $0x1  }
0x16: {  	s6 =	simm.s32 $0x3;
	[dreg:$0x9] =	wrdreg s7;
	s7 =	sadd.s32 s5, s12  }
0x17: {  	s10 =	simm.s32 $0x14000;
	s8 =	sadd.s32 s9, s26;
	[dreg:$0xb] =	wrdreg s7  }
0x18: {  	s11 =	simm.s32 $0x18020;
	s7 =	sadd.s32 s5, s14;
	[dreg:$0x18] =	wrdreg s8  }
0x19: {  	s13 =	simm.s32 $0x2;
	[dreg:$0xd] =	wrdreg s7;
	s7 =	sadd.s32 s5, s16  }
0x1a: {  	s15 =	simm.s32 $0x6;
	[dreg:$0xf] =	wrdreg s7;
	s7 =	sadd.s32 s5, s18  }
0x1b: {  	s9 =	simm.s32 $0xC000;
	[dreg:$0x11] =	wrdreg s7;
	s7 =	sadd.s32 s5, s20  }
0x1c: {  	s12 =	simm.s32 $0x180C0;
	[dreg:$0x13] =	wrdreg s7;
	s7 =	sadd.s32 s5, s22  }
0x1d: {  	s8 =	simm.s32 $0x4000;
	s5 =	sadd.s32 s5, s26;
	[dreg:$0x15] =	wrdreg s7  }
0x1e: {  	v0 =	vimm.s32 $0x0;
	s14 =	simm.s32 $0x4;
	s16 =	simm.s32 $0x0;
	[dreg:$0x19] =	wrdreg s5  }
0x1f: {  	v1 =	vimm.f32 $0.0e+00;
	v2 =	vimm.s32 $0x1;
	v3 =	vlaneseq.u32;
	s5 =	simm.s32 $0x1;
	s7 =	simm.s32 $0x5;
	_ =	strace $0x80000047  }
.LBB2_1:
0x20: {  	s17 =	rddreg [dreg:$0x3];
	s18 =	simm.s32 $0x18000  }
0x21: {  	[tilespmem:s18], [sflag:$0x7] =	stream.linear.gather [hbm4b:s17+s4], $0x20, $0x38;
	[tilespmem:$0x18160] =	vst v63  }
0x22: {  	_ =	swait.ge [sflag:s24], $0x20  }
0x23: {  	[sflag:s24] =	ssyncset.done $0x0  }
0x24: {  	[sflag:s24] =	ssyncadd.s32 $0xFFFFFFE0  }
0x25: {  	[tilespmem:$0x18020] =	vst v0  }
0x26: {  	[tilespmem:$0x180C0] =	vst v1  }
0x27: {  	[tilespmem:$0x18030] =	vst v0  }
0x28: {  	[tilespmem:$0x180D0] =	vst v1  }
0x29: {  	[tilespmem:$0x18040] =	vst v0  }
0x2a: {  	[tilespmem:$0x180E0] =	vst v1  }
0x2b: {  	[tilespmem:$0x18050] =	vst v0  }
0x2c: {  	[tilespmem:$0x180F0] =	vst v1  }
0x2d: {  	[tilespmem:$0x18060] =	vst v0  }
0x2e: {  	[tilespmem:$0x18100] =	vst v1  }
0x2f: {  	[tilespmem:$0x18070] =	vst v0  }
0x30: {  	[tilespmem:$0x18110] =	vst v1  }
0x31: {  	[tilespmem:$0x18080] =	vst v0  }
0x32: {  	[tilespmem:$0x18120] =	vst v1  }
0x33: {  	[tilespmem:$0x18090] =	vst v0  }
0x34: {  	[tilespmem:$0x18130] =	vst v1  }
0x35: {  	[tilespmem:$0x180A0] =	vst v0  }
0x36: {  	[tilespmem:$0x18140] =	vst v1  }
0x37: {  	[tilespmem:$0x180B0] =	vst v0  }
0x38: {  	v4 =	vld [tilespmem:$0x18000];
	[tilespmem:$0x18150] =	vst v1  }
0x39: {  	v5 =	vld [tilespmem:$0x18010];
	[tilespmem:s4], [sflag:$0x1] =	stream.linear.gather [hbm4b:s29+s4], $0x4000, $0x38  }
0x3a: {  	s25 =	simm.s32 $0x8000  }
0x3b: {  	[tilespmem:s25], [sflag:$0x3] =	stream.linear.gather [hbm4b:s30+s4], $0x4000, $0x38;
	[tilespmem:$0x18160] =	vst v63  }
0x3c: {  	s26 =	simm.s32 $0x10000;
	s17 =	simm.s32 $0x0  }
0x3d: {  	[tilespmem:s26], [sflag:$0x5] =	stream.linear.gather [hbm4b:s31+s4], $0x4000, $0x38;
	[tilespmem:$0x18160] =	vst v63  }
.LBB2_2:
0x3e: {  	_ =	swait.ge [sflag:s5], $0x4000  }
0x3f: {  	[sflag:s5] =	ssyncset.done $0x0  }
0x40: {  	[sflag:s5] =	ssyncadd.s32 $0xFFFFC000  }
0x41: {  	_ =	swait.ge [sflag:s6], $0x4000  }
0x42: {  	s18 =	sshll.u32 s17, $0xF;
	[sflag:s6] =	ssyncset.done $0x0  }
0x43: {  	s19 =	sor.u32 s18, s28;
	[sflag:s6] =	ssyncadd.s32 $0xFFFFC000  }
0x44: {  	s19 =	sshrl.u32 s19, $0x3;
	_ =	swait.ge [sflag:s7], $0x4000  }
0x45: {  	s19 =	sor.u32 $0x800, s19;
	[sflag:s7] =	ssyncset.done $0x0  }
0x46: {  	s20 =	sadd.s32 s1, s19;
	[sflag:s7] =	ssyncadd.s32 $0xFFFFC000  }
0x47: {  	[tilespmem:s8], [sflag:$0x2] =	stream.linear.gather [hbm4b:s20+s4], $0x4000, $0x38;
	[tilespmem:$0x18160] =	vst v63  }
0x48: {  	s26 =	sadd.s32 s2, s19  }
0x49: {  	[tilespmem:s9], [sflag:$0x4] =	stream.linear.gather [hbm4b:s26+s4], $0x4000, $0x38;
	[tilespmem:$0x18160] =	vst v63  }
0x4a: {  	s19 =	sadd.s32 s3, s19;
	s20 =	simm.s32 $0x8040  }
0x4b: {  	[tilespmem:s10], [sflag:$0x6] =	stream.linear.gather [hbm4b:s19+s4], $0x4000, $0x38;
	[tilespmem:$0x18160] =	vst v63  }
0x4c: {  	s22 =	simm.s32 $0x10040;
	v9 =	vld [tilespmem:s20+$0x10]  }
0x4d: {  	v6 =	vld [tilespmem:s22+$0x0]  }
0x4e: {  	v7 =	vld [tilespmem:s22+$0xFFFFFFF0]  }
0x4f: {  	v8 =	vld [tilespmem:s22+$0xFFFFFFE0]  }
0x50: {  	s19 =	simm.s32 $0x40;
	v11 =	vld [tilespmem:s22+$0xFFFFFFD0]  }
0x51: {  	v14 =	vld [tilespmem:s19+$0x10]  }
0x52: {  	v10 =	vld [tilespmem:s22+$0xFFFFFFC0]  }
0x53: {  	v12 =	vld [tilespmem:s20+$0x30]  }
0x54: {  	v13 =	vld [tilespmem:s19+$0x30]  }
0x55: {  	v16 =	vld [tilespmem:s19+$0x0];
	v15 =	vmul.f32 $1.000000000e+01, v6;
	v17 =	vmul.f32 $1.000000000e+01, v7  }
0x56: {  	v18 =	vld [tilespmem:s20+$0x0];
	v19 =	vmul.f32 $1.000000000e+01, v8;
	v20 =	vmul.f32 $1.000000000e+01, v11  }
0x57: {  	vm0 =	veq.s32 v14, v9;
	v14 =	vmul.f32 $1.000000000e+01, v10;
	v15 =	vtrunc.f32 v15  }
0x58: {  	v17 =	vtrunc.f32 v17;
	v19 =	vtrunc.f32 v19  }
0x59: {  	vm1 =	veq.s32 v13, v12;
	v9 =	vld [tilespmem:s22+$0x10];
	v12 =	vtrunc.f32 v20;
	v14 =	vtrunc.f32 v14  }
0x5a: {  	v15 =	vcvt.f32.s32 v15;
	v21 =	vcvt.f32.s32 v17  }
0x5b: {  	vm2 =	veq.s32 v16, v18;
	v18 =	vcvt.f32.s32 v14;
	v12 =	vcvt.f32.s32 v12  }
0x5c: {  	v22 =	vcvt.f32.s32 v19;
	v13 =	vperm.xlane v4, v15  }
0x5d: {  	v16 =	vperm.xlane v5, v21;
	v14 =	vperm.xlane v4, v21  }
0x5e: {  	v20 =	vmul.f32 $1.000000000e+01, v9;
	v23 =	vperm.xlane v4, v22  }
0x5f: {  	v28 =	vperm.xlane v5, v12;
	v30 =	vperm.xlane v5, v22;
	vm3 =	vle.f32 v6, v13  }
0x60: {  	vm4 =	vgt.f32 v7, v16;
	v13 =	vperm.xlane v4, v18;
	vm5 =	vle.f32 v7, v14  }
0x61: {  	v25 =	vld [tilespmem:s20+$0xFFFFFFF0];
	v16 =	vperm.xlane v4, v12;
	v24 =	vtrunc.f32 v20;
	v14 =	vsel vm3, $0xFFFFFFFF, v0  }
0x62: {  	v26 =	vld [tilespmem:s19+$0xFFFFFFF0];
	vm8 =	vgt.f32 v8, v30;
	v19 =	vsel vm5, $0xFFFFFFFF, v0;
	v17 =	vadd.s32 v15, v14  }
0x63: {  	v20 =	vld [tilespmem:s20+$0xFFFFFFD0];
	vm3 =	vle.f32 v10, v13;
	v13 =	vadd.s32 v21, v19;
	vm5 =	vle.f32 v11, v16  }
0x64: {  	v19 =	vld [tilespmem:s20+$0xFFFFFFE0];
	v14 =	vsel vm4, $0x1, v0;
	v15 =	vperm.xlane v5, v15;
	v16 =	vsel vm5, $0xFFFFFFFF, v0  }
0x65: {  	vm4 =	vle.f32 v8, v23;
	v13 =	vadd.s32 v14, v13;
	v27 =	vadd.s32 v12, v16;
	v12 =	vld [tilespmem:s22+$0x30]  }
0x66: {  	v21 =	vld [tilespmem:s19+$0xFFFFFFE0];
	v29 =	vsel vm3, $0xFFFFFFFF, v0;
	vm3 =	vgt.f32 v11, v28;
	v63 =	vsel vm4, $0xFFFFFFFF, v0  }
0x67: {  	vm4 =	veq.s32 v26, v25;
	v13 =	vshll.u32 v13, $0x4;
	vm6 =	vgt.f32 v6, v15;
	v15 =	vld [tilespmem:s19+$0xFFFFFFC0]  }
0x68: {  	v16 =	vperm.xlane v5, v18;
	v23 =	vsel vm3, $0x1, v0;
	v14 =	vor.u32 v3, v13;
	v13 =	vld [tilespmem:s22+$0x20]  }
0x69: {  	v18 =	vadd.s32 v18, v29;
	v27 =	vadd.s32 v23, v27;
	v23 =	vadd.s32 v22, v63;
	v22 =	vld [tilespmem:s19+$0xFFFFFFD0]  }
0x6a: {  	s23 =	simm.s32 $0x0;
	s25 =	simm.s32 $0xC0;
	s26 =	simm.s32 $0x80C0;
	vm7 =	vgt.f32 v10, v16;
	v16 =	vld [tilespmem:s20+$0xFFFFFFC0];
	v25 =	vshll.u32 v27, $0x4;
	v26 =	vmul.f32 $1.000000000e+01, v12  }
.LBB2_3:
0x6b: {  	vm5 =	veq.s32 v21, v19;
	v19 =	vsel vm4, $0x10001, v2  }
0x6c: {  	v27 =	vld [tilespmem:s26+$0x10];
	s23 =	sadd.s32 $0x8, s23;
	v21 =	vcvt.f32.s32 v24;
	s22 =	sadd.s32 $0x80, s22;
	vm4 =	vmmov vm0;
	vm3 =	vmmov vm1  }
0x6d: {  	v28 =	vsel vm7, $0x1, v0;
	v29 =	vsel vm6, $0x1, v0;
	v24 =	vld [tilespmem:s26+$0x30];
	p0 =	slt.u32 s23, $0x3F8;
	v26 =	vtrunc.f32 v26  }
0x6e: {  	v31 =	vsel vm8, $0x1, v0;
	v17 =	vadd.s32 v29, v17;
	v29 =	vmul.f32 $1.000000000e+01, v13;
	v30 =	vld [tilespmem:s25+$0x30]  }
0x6f: {  	v25 =	vor.u32 v3, v25;
	v23 =	vadd.s32 v31, v23;
	v17 =	vshll.u32 v17, $0x4;
	v32 =	vld [tilespmem:s22+$0x0]  }
0x70: {  	v23 =	vshll.u32 v23, $0x4;
	v26 =	vcvt.f32.s32 v26;
	v29 =	vtrunc.f32 v29;
	v31 =	vld [tilespmem:s22+$0xFFFFFFF0]  }
0x71: {  	v23 =	vor.u32 v3, v23;
	v17 =	vor.u32 v3, v17;
	v29 =	vcvt.f32.s32 v29;
	v33 =	vld [tilespmem:s25+$0x10]  }
0x72: {  	vm0 =	veq.s32 v22, v20;
	v20 =	vsel vm2, $0x10001, v2;
	v22 =	vperm.xlane v4, v21;
	v34 =	vld [tilespmem:s22+$0xFFFFFFE0]  }
0x73: {  	v35 =	vsel vm0, $0x10001, v2;
	v36 =	vperm.xlane v5, v29;
	[tilespmem:v14+s11+$0x0] =	vst.idx.add.s32.msk $0xffff, v19;
	v19 =	vperm.xlane v4, v29  }
0x74: {  	v18 =	vadd.s32 v28, v18;
	v28 =	vperm.xlane v5, v21;
	v38 =	vperm.xlane v4, v26;
	v37 =	vld [tilespmem:s20+$0x20];
	s20 =	smov.u32 s26  }
0x75: {  	v18 =	vshll.u32 v18, $0x4;
	v39 =	vperm.xlane v5, v26;
	vm0 =	vle.f32 v9, v22;
	v22 =	vld [tilespmem:s19+$0x20];
	s19 =	smov.u32 s25  }
0x76: {  	v18 =	vor.u32 v3, v18;
	[tilespmem:v25+s11+$0x0] =	vst.idx.add.s32.msk $0xffff, v35;
	v35 =	vsel vm0, $0xFFFFFFFF, v0;
	vm0 =	vgt.f32 v13, v36  }
0x77: {  	vm1 =	vgt.f32 v9, v28;
	vm2 =	vle.f32 v12, v38;
	v36 =	vld [tilespmem:s22+$0xFFFFFFC0];
	v28 =	vsel vm0, $0x1, v0  }
0x78: {  	vm0 =	vgt.f32 v12, v39;
	[tilespmem:v25+s12+$0x0] =	vst.idx.add.f32.msk $0xffff, v11;
	v25 =	vsel vm1, $0x1, v0;
	vm1 =	vle.f32 v13, v19  }
0x79: {  	vm6 =	veq.s32 v15, v16;
	v15 =	vadd.s32 v21, v35;
	v16 =	vsel vm0, $0x1, v0;
	v11 =	vld [tilespmem:s22+$0xFFFFFFD0]  }
0x7a: {  	v21 =	vsel vm6, $0x10001, v2;
	vm0 =	veq.s32 v33, v27;
	v27 =	vsel vm2, $0xFFFFFFFF, v0;
	v19 =	vld [tilespmem:s25+$0x0]  }
0x7b: {  	v15 =	vadd.s32 v25, v15;
	v25 =	vadd.s32 v26, v27;
	[tilespmem:v18+s11+$0x0] =	vst.idx.add.s32.msk $0xffff, v21;
	v21 =	vsel vm1, $0xFFFFFFFF, v0  }
0x7c: {  	v15 =	vshll.u32 v15, $0x4;
	vm1 =	veq.s32 v30, v24;
	[tilespmem:v18+s12+$0x0] =	vst.idx.add.f32.msk $0xffff, v10;
	v18 =	vsel vm5, $0x10001, v2;
	v10 =	vmovc v36  }
0x7d: {  	v16 =	vadd.s32 v16, v25;
	v21 =	vadd.s32 v29, v21;
	[tilespmem:v23+s11+$0x0] =	vst.idx.add.s32.msk $0xffff, v18;
	v18 =	vsel vm4, $0x10001, v2  }
0x7e: {  	v24 =	vmul.f32 $1.000000000e+01, v32;
	v16 =	vshll.u32 v16, $0x4;
	v21 =	vadd.s32 v28, v21;
	[tilespmem:v23+s12+$0x0] =	vst.idx.add.f32.msk $0xffff, v8;
	v8 =	vmovc v34  }
0x7f: {  	vm4 =	veq.s32 v22, v37;
	v23 =	vmul.f32 $1.000000000e+01, v31;
	v21 =	vshll.u32 v21, $0x4;
	v25 =	vld [tilespmem:s26+$0x0]  }
0x80: {  	v24 =	vtrunc.f32 v24;
	v22 =	vmul.f32 $1.000000000e+01, v8;
	[tilespmem:v14+s12+$0x0] =	vst.idx.add.f32.msk $0xffff, v7;
	v14 =	vor.u32 v3, v15;
	v7 =	vmovc v31  }
0x81: {  	v15 =	vmul.f32 $1.000000000e+01, v11;
	v23 =	vtrunc.f32 v23;
	[tilespmem:v17+s11+$0x0] =	vst.idx.add.s32.msk $0xffff, v20;
	v20 =	vor.u32 v3, v21  }
0x82: {  	v16 =	vor.u32 v3, v16;
	v21 =	vtrunc.f32 v22;
	v22 =	vcvt.f32.s32 v24;
	[tilespmem:v17+s12+$0x0] =	vst.idx.add.f32.msk $0xffff, v6;
	v6 =	vmovc v32  }
0x83: {  	v23 =	vcvt.f32.s32 v23;
	v24 =	vsel vm3, $0x10001, v2;
	v17 =	vmul.f32 $1.000000000e+01, v10;
	v26 =	vld [tilespmem:s26+$0xFFFFFFF0]  }
0x84: {  	v15 =	vtrunc.f32 v15;
	vm2 =	veq.s32 v19, v25;
	v19 =	vperm.xlane v4, v22;
	v25 =	vld [tilespmem:s22+$0x10]  }
0x85: {  	v27 =	vperm.xlane v5, v23;
	v17 =	vtrunc.f32 v17;
	[tilespmem:v14+s11+$0x0] =	vst.idx.add.s32.msk $0xffff, v18;
	v18 =	vsel vm4, $0x10001, v2  }
0x86: {  	v28 =	vcvt.f32.s32 v17;
	v17 =	vperm.xlane v4, v23;
	vm3 =	vle.f32 v6, v19;
	[tilespmem:v20+s11+$0x0] =	vst.idx.add.s32.msk $0xffff, v18  }
0x87: {  	v29 =	vcvt.f32.s32 v21;
	v15 =	vcvt.f32.s32 v15;
	vm4 =	vgt.f32 v7, v27;
	[tilespmem:v16+s11+$0x0] =	vst.idx.add.s32.msk $0xffff, v24  }
0x88: {  	v18 =	vperm.xlane v4, v28;
	vm5 =	vle.f32 v7, v17;
	v17 =	vsel vm3, $0xFFFFFFFF, v0;
	[tilespmem:v16+s12+$0x0] =	vst.idx.add.f32.msk $0xffff, v12  }
0x89: {  	v12 =	vperm.xlane v4, v15;
	v16 =	vsel vm5, $0xFFFFFFFF, v0;
	v17 =	vadd.s32 v22, v17;
	[tilespmem:v14+s12+$0x0] =	vst.idx.add.f32.msk $0xffff, v9  }
0x8a: {  	vm3 =	vle.f32 v10, v18;
	v14 =	vadd.s32 v23, v16;
	v16 =	vmul.f32 $1.000000000e+01, v25;
	[tilespmem:v20+s12+$0x0] =	vst.idx.add.f32.msk $0xffff, v13  }
0x8b: {  	v9 =	vmovc v25;
	vm5 =	vle.f32 v11, v12;
	v12 =	vsel vm4, $0x1, v0;
	v13 =	vperm.xlane v5, v22;
	v19 =	vld [tilespmem:s26+$0xFFFFFFE0]  }
0x8c: {  	v20 =	vperm.xlane v4, v29;
	v18 =	vsel vm5, $0xFFFFFFFF, v0;
	v12 =	vadd.s32 v12, v14;
	v22 =	vld [tilespmem:s25+$0xFFFFFFF0]  }
0x8d: {  	v23 =	vadd.s32 v15, v18;
	v12 =	vshll.u32 v12, $0x4;
	vm6 =	vgt.f32 v6, v13;
	v21 =	vld [tilespmem:s25+$0xFFFFFFE0]  }
0x8e: {  	v13 =	vperm.xlane v5, v28;
	v18 =	vperm.xlane v5, v15;
	v14 =	vor.u32 v3, v12;
	v12 =	vld [tilespmem:s22+$0x30]  }
.Ltmp0:
0x8f: {  	v27 =	vperm.xlane v5, v29;
	v25 =	vsel vm3, $0xFFFFFFFF, v0;
	v24 =	vtrunc.f32 v16;
	v15 =	vld [tilespmem:s25+$0xFFFFFFC0];
	(pc) =	sbr.rel @p0 .LBB2_3-.Ltmp0, $4  }
0x90: {  	vm4 =	vle.f32 v8, v20;
	vm7 =	vgt.f32 v10, v13;
	vm3 =	vgt.f32 v11, v18;
	v13 =	vld [tilespmem:s22+$0x20]  }
0x91: {  	v18 =	vadd.s32 v28, v25;
	v28 =	vsel vm4, $0xFFFFFFFF, v0;
	v25 =	vsel vm3, $0x1, v0;
	v16 =	vld [tilespmem:s26+$0xFFFFFFC0]  }
0x92: {  	v25 =	vadd.s32 v25, v23;
	v23 =	vadd.s32 v29, v28;
	vm4 =	veq.s32 v22, v26;
	v20 =	vld [tilespmem:s26+$0xFFFFFFD0]  }
0x93: {  	vm8 =	vgt.f32 v8, v27;
	s25 =	sadd.s32 $0x80, s25;
	v25 =	vshll.u32 v25, $0x4;
	s26 =	sadd.s32 $0x80, s26;
	v22 =	vld [tilespmem:s19+$0xFFFFFFD0];
	v26 =	vmul.f32 $1.000000000e+01, v12  }
0x94: {  	vm3 =	veq.s32 v21, v19;
	v19 =	vsel vm4, $0x10001, v2;
	v21 =	vcvt.f32.s32 v24  }
0x95: {  	v24 =	vsel vm7, $0x1, v0;
	v27 =	vsel vm6, $0x1, v0;
	v28 =	vsel vm8, $0x1, v0  }
0x96: {  	v25 =	vor.u32 v3, v25;
	v26 =	vtrunc.f32 v26;
	v29 =	vmul.f32 $1.000000000e+01, v13  }
0x97: {  	v17 =	vadd.s32 v27, v17;
	v23 =	vadd.s32 v28, v23;
	v18 =	vadd.s32 v24, v18  }
0x98: {  	v17 =	vshll.u32 v17, $0x4;
	v23 =	vshll.u32 v23, $0x4;
	v26 =	vcvt.f32.s32 v26  }
0x99: {  	v18 =	vshll.u32 v18, $0x4;
	vm14 =	veq.s32 v15, v16;
	v27 =	vtrunc.f32 v29  }
0x9a: {  	v23 =	vor.u32 v3, v23;
	v17 =	vor.u32 v3, v17;
	v29 =	vperm.xlane v5, v21  }
0x9b: {  	[tilespmem:v14+s11+$0x0] =	vst.idx.add.s32.msk $0xffff, v19;
	v18 =	vor.u32 v3, v18;
	v15 =	vsel vm14, $0x10001, v2;
	v27 =	vcvt.f32.s32 v27  }
0x9c: {  	vm4 =	veq.s32 v22, v20;
	v20 =	vperm.xlane v4, v21;
	v30 =	vperm.xlane v4, v26  }
0x9d: {  	[tilespmem:v14+s12+$0x0] =	vst.idx.add.f32.msk $0xffff, v7;
	v19 =	vperm.xlane v5, v26;
	v22 =	vsel vm4, $0x10001, v2;
	vm5 =	vgt.f32 v9, v29  }
0x9e: {  	v28 =	vperm.xlane v4, v27;
	v24 =	vperm.xlane v5, v27;
	vm4 =	vle.f32 v9, v20  }
0x9f: {  	[tilespmem:v25+s11+$0x0] =	vst.idx.add.s32.msk $0xffff, v22;
	v22 =	vsel vm5, $0x1, v0;
	vm15 =	vgt.f32 v12, v19;
	v20 =	vsel vm4, $0xFFFFFFFF, v0  }
0xa0: {  	[tilespmem:v25+s12+$0x0] =	vst.idx.add.f32.msk $0xffff, v11;
	v16 =	vsel vm15, $0x1, v0;
	vm4 =	vgt.f32 v13, v24;
	vm5 =	vle.f32 v13, v28  }
0xa1: {  	v11 =	vadd.s32 v21, v20;
	[tilespmem:v18+s11+$0x0] =	vst.idx.add.s32.msk $0xffff, v15;
	v29 =	vsel vm4, $0x1, v0;
	vm4 =	vle.f32 v12, v30  }
0xa2: {  	v15 =	vsel vm5, $0xFFFFFFFF, v0;
	v11 =	vadd.s32 v22, v11;
	[tilespmem:v18+s12+$0x0] =	vst.idx.add.f32.msk $0xffff, v10;
	v10 =	vsel vm3, $0x10001, v2  }
0xa3: {  	v24 =	vld [tilespmem:s20+$0x20];
	v19 =	vsel vm4, $0xFFFFFFFF, v0;
	v15 =	vadd.s32 v27, v15;
	v11 =	vshll.u32 v11, $0x4  }
0xa4: {  	v20 =	vld [tilespmem:s19+$0x20];
	v19 =	vadd.s32 v26, v19;
	v15 =	vadd.s32 v29, v15;
	v11 =	vor.u32 v3, v11  }
0xa5: {  	[tilespmem:v23+s11+$0x0] =	vst.idx.add.s32.msk $0xffff, v10;
	v10 =	vadd.s32 v16, v19;
	v15 =	vshll.u32 v15, $0x4  }
0xa6: {  	[tilespmem:v23+s12+$0x0] =	vst.idx.add.f32.msk $0xffff, v8;
	v8 =	vshll.u32 v10, $0x4;
	v10 =	vor.u32 v3, v15;
	v15 =	vsel vm2, $0x10001, v2  }
0xa7: {  	vm0 =	vmmov vm0;
	v7 =	vor.u32 v3, v8;
	[tilespmem:v17+s11+$0x0] =	vst.idx.add.s32.msk $0xffff, v15  }
0xa8: {  	v8 =	vsel vm0, $0x10001, v2;
	[tilespmem:v17+s12+$0x0] =	vst.idx.add.f32.msk $0xffff, v6  }
0xa9: {  	vm0 =	veq.s32 v20, v24;
	[tilespmem:v11+s11+$0x0] =	vst.idx.add.s32.msk $0xffff, v8  }
0xaa: {  	vm1 =	vmmov vm1;
	v6 =	vsel vm0, $0x10001, v2;
	[tilespmem:v11+s12+$0x0] =	vst.idx.add.f32.msk $0xffff, v9  }
0xab: {  	v8 =	vsel vm1, $0x10001, v2;
	[tilespmem:v10+s11+$0x0] =	vst.idx.add.s32.msk $0xffff, v6  }
0xac: {  	[tilespmem:v7+s11+$0x0] =	vst.idx.add.s32.msk $0xffff, v8  }
0xad: {  	[tilespmem:v10+s12+$0x0] =	vst.idx.add.f32.msk $0xffff, v13  }
0xae: {  	[tilespmem:v7+s12+$0x0] =	vst.idx.add.f32.msk $0xffff, v12  }
0xaf: {  	_ =	swait.ge [sflag:s13], $0x4000  }
0xb0: {  	[sflag:s13] =	ssyncset.done $0x0  }
0xb1: {  	[sflag:s13] =	ssyncadd.s32 $0xFFFFC000  }
0xb2: {  	_ =	swait.ge [sflag:s14], $0x4000  }
0xb3: {  	[sflag:s14] =	ssyncset.done $0x0  }
0xb4: {  	p0 =	seq.s32 s17, $0x7;
	[sflag:s14] =	ssyncadd.s32 $0xFFFFC000  }
0xb5: {  	s18 =	sadd.s32 @!p0 s18, s0;
	_ =	swait.ge [sflag:s15], $0x4000  }
0xb6: {  	s18 =	sshrl.u32 @!p0 s18, $0x3;
	[sflag:s15] =	ssyncset.done $0x0  }
0xb7: {  	s19 =	sadd.s32 @!p0 s1, s18;
	s20 =	simm.s32 @!p0 $0x0;
	[sflag:s15] =	ssyncadd.s32 $0xFFFFC000  }
0xb8: {  	[tilespmem:s20], [sflag:$0x1] =	stream.linear.gather @!p0 [hbm4b:s19+s20], $0x4000, $0x38;
	[tilespmem:$0x18160] =	vst v63  }
0xb9: {  	s22 =	simm.s32 @!p0 $0x8000;
	s19 =	sadd.s32 @!p0 s2, s18  }
0xba: {  	[tilespmem:s22], [sflag:$0x3] =	stream.linear.gather @!p0 [hbm4b:s19+s20], $0x4000, $0x38;
	[tilespmem:$0x18160] =	vst v63  }
0xbb: {  	s18 =	sadd.s32 @!p0 s3, s18;
	s19 =	simm.s32 @!p0 $0x10000  }
0xbc: {  	[tilespmem:s19], [sflag:$0x5] =	stream.linear.gather @!p0 [hbm4b:s18+s20], $0x4000, $0x38;
	[tilespmem:$0x18160] =	vst v63  }
0xbd: {  	s18 =	simm.s32 $0x0  }
0xbe: {  	v8 =	vld [tilespmem:s18+$0x14010]  }
0xbf: {  	v7 =	vld [tilespmem:s18+$0x14060]  }
0xc0: {  	v6 =	vld [tilespmem:s18+$0x14000]  }
0xc1: {  	v13 =	vld [tilespmem:s18+$0x14070]  }
0xc2: {  	v11 =	vld [tilespmem:s18+$0x14020]  }
0xc3: {  	v9 =	vld [tilespmem:s18+$0x14040]  }
0xc4: {  	v10 =	vld [tilespmem:s18+$0x14050];
	_ =	sdelay $0x1  }
0xc5: {  	v12 =	vmul.f32 $1.000000000e+01, v8;
	v14 =	vmul.f32 $1.000000000e+01, v6  }
0xc6: {  	v15 =	vmul.f32 $1.000000000e+01, v7;
	v17 =	vmul.f32 $1.000000000e+01, v13  }
0xc7: {  	v16 =	vmul.f32 $1.000000000e+01, v11;
	v18 =	vmul.f32 $1.000000000e+01, v9  }
0xc8: {  	v26 =	vmul.f32 $1.000000000e+01, v10;
	v14 =	vtrunc.f32 v14  }
0xc9: {  	v15 =	vtrunc.f32 v15;
	v16 =	vtrunc.f32 v16  }
0xca: {  	v18 =	vtrunc.f32 v18;
	v17 =	vtrunc.f32 v17  }
0xcb: {  	v12 =	vtrunc.f32 v12;
	v63 =	vtrunc.f32 v26  }
0xcc: {  	v19 =	vcvt.f32.s32 v15;
	v15 =	vcvt.f32.s32 v16  }
0xcd: {  	v16 =	vcvt.f32.s32 v14;
	v30 =	vcvt.f32.s32 v18  }
0xce: {  	v20 =	vcvt.f32.s32 v17;
	v27 =	vcvt.f32.s32 v12  }
0xcf: {  	v14 =	vperm.xlane v4, v15;
	v18 =	vperm.xlane v5, v19  }
0xd0: {  	v21 =	vld [tilespmem:s18+$0xC000];
	v25 =	vperm.xlane v5, v16;
	v22 =	vperm.xlane v5, v15  }
0xd1: {  	v24 =	vld [tilespmem:s18+$0x4000];
	v17 =	vperm.xlane v4, v19;
	v31 =	vperm.xlane v4, v30  }
0xd2: {  	v28 =	vperm.xlane v5, v30;
	v29 =	vperm.xlane v5, v27  }
0xd3: {  	v34 =	vld [tilespmem:s18+$0xC060];
	vm0 =	vle.f32 v11, v14;
	v14 =	vperm.xlane v4, v20;
	vm1 =	vle.f32 v7, v17  }
0xd4: {  	v35 =	vld [tilespmem:s18+$0x4060];
	v17 =	vperm.xlane v5, v20;
	v23 =	vsel vm0, $0xFFFFFFFF, v0;
	vm0 =	vgt.f32 v7, v18  }
0xd5: {  	vm4 =	vgt.f32 v11, v22;
	vm2 =	vle.f32 v13, v14;
	v32 =	vsel vm0, $0x1, v0  }
0xd6: {  	v33 =	vld [tilespmem:s18+$0xC070];
	v23 =	vadd.s32 v15, v23;
	vm0 =	veq.s32 v24, v21;
	v24 =	vperm.xlane v4, v27  }
0xd7: {  	v26 =	vld [tilespmem:s18+$0x4050];
	v12 =	vsel vm2, $0xFFFFFFFF, v0;
	vm2 =	vgt.f32 v13, v17;
	v15 =	vsel vm0, $0x10001, v2  }
0xd8: {  	v18 =	vld [tilespmem:s18+$0x4070];
	vm0 =	vgt.f32 v8, v29;
	v14 =	vadd.s32 v20, v12;
	v20 =	vsel vm2, $0x1, v0  }
0xd9: {  	v22 =	vld [tilespmem:s18+$0xC030];
	v36 =	vsel vm0, $0x1, v0;
	vm0 =	vgt.f32 v9, v28;
	vm2 =	veq.s32 v35, v34  }
0xda: {  	v17 =	vld [tilespmem:s18+$0xC010];
	v14 =	vadd.s32 v20, v14;
	v20 =	vsel vm1, $0xFFFFFFFF, v0;
	vm1 =	vle.f32 v8, v24  }
0xdb: {  	v12 =	vld [tilespmem:s18+$0xC040];
	v28 =	vsel vm0, $0x1, v0;
	vm0 =	vgt.f32 v6, v25;
	v14 =	vshll.u32 v14, $0x4  }
0xdc: {  	v24 =	vld [tilespmem:s18+$0x4030];
	v19 =	vadd.s32 v19, v20;
	v20 =	vperm.xlane v4, v16;
	v29 =	vsel vm1, $0xFFFFFFFF, v0  }
0xdd: {  	vm3 =	veq.s32 v18, v33;
	vm1 =	vle.f32 v9, v31;
	v21 =	vor.u32 v3, v14;
	v14 =	vld [tilespmem:s18+$0x14030]  }
0xde: {  	v31 =	vsel vm4, $0x1, v0;
	v19 =	vadd.s32 v32, v19;
	v62 =	vadd.s32 v27, v29;
	v27 =	vld [tilespmem:s18+$0xC020]  }
0xdf: {  	v29 =	vld [tilespmem:s18+$0x4020];
	v18 =	vshll.u32 v19, $0x4;
	v19 =	vsel vm1, $0xFFFFFFFF, v0;
	v32 =	vadd.s32 v36, v62  }
0xe0: {  	s19 =	simm.s32 $0x0;
	s20 =	simm.s32 $0x200;
	v25 =	vld [tilespmem:s18+$0xC050];
	v18 =	vor.u32 v3, v18;
	v19 =	vadd.s32 v30, v19;
	v30 =	vcvt.f32.s32 v63  }
.LBB2_5:
0xe1: {  	s22 =	sshra.s32 s20, $0x2;
	s19 =	sadd.s32 $0x8, s19;
	v33 =	vld [tilespmem:s18+$0x4010];
	vm1 =	veq.s32 v24, v22;
	v22 =	vadd.s32 v28, v19;
	v24 =	vsel vm3, $0x10001, v2  }
0xe2: {  	v28 =	vshll.u32 v32, $0x4;
	v32 =	vmul.f32 $1.000000000e+01, v14;
	v19 =	vld [tilespmem:s22+$0x4070];
	p0 =	slt.u32 s19, $0x3F8;
	v34 =	vperm.xlane v4, v30  }
0xe3: {  	v23 =	vadd.s32 v31, v23;
	v35 =	vsel vm2, $0x10001, v2;
	v31 =	vperm.xlane v5, v30;
	[tilespmem:v21+s11+$0x0] =	vst.idx.add.s32.msk $0xffff, v24  }
0xe4: {  	v23 =	vshll.u32 v23, $0x4;
	vm2 =	veq.s32 v29, v27;
	vm3 =	vle.f32 v10, v34;
	[tilespmem:v21+s12+$0x0] =	vst.idx.add.f32.msk $0xffff, v13  }
0xe5: {  	v21 =	vor.u32 v3, v28;
	v13 =	vsel vm3, $0xFFFFFFFF, v0;
	vm3 =	vgt.f32 v10, v31;
	[tilespmem:v18+s11+$0x0] =	vst.idx.add.s32.msk $0xffff, v35  }
0xe6: {  	v27 =	vsel vm2, $0x10001, v2;
	v28 =	vtrunc.f32 v32;
	v24 =	vld [tilespmem:s22+$0x14010];
	v13 =	vadd.s32 v30, v13  }
0xe7: {  	v28 =	vcvt.f32.s32 v28;
	vm2 =	veq.s32 v33, v17;
	v17 =	vsel vm3, $0x1, v0;
	v29 =	vld [tilespmem:s22+$0x14060]  }
0xe8: {  	v22 =	vshll.u32 v22, $0x4;
	v31 =	vsel vm2, $0x10001, v2;
	v17 =	vadd.s32 v17, v13;
	v30 =	vld [tilespmem:s22+$0x14000]  }
0xe9: {  	v23 =	vor.u32 v3, v23;
	vm2 =	veq.s32 v26, v25;
	v17 =	vshll.u32 v17, $0x4;
	v13 =	vld [tilespmem:s22+$0x14070]  }
0xea: {  	vm3 =	vle.f32 v6, v20;
	v20 =	vperm.xlane v5, v28;
	v26 =	vor.u32 v3, v17;
	v25 =	vld [tilespmem:s22+$0x14020]  }
0xeb: {  	v34 =	vsel vm0, $0x1, v0;
	v17 =	vsel vm3, $0xFFFFFFFF, v0;
	v32 =	vmul.f32 $1.000000000e+01, v24;
	v33 =	vld [tilespmem:s22+$0x14040]  }
0xec: {  	v35 =	vperm.xlane v4, v28;
	vm0 =	vgt.f32 v14, v20;
	v16 =	vadd.s32 v16, v17;
	v20 =	vld [tilespmem:s18+$0x4040];
	s18 =	smov.u32 s22  }
0xed: {  	v36 =	vmul.f32 $1.000000000e+01, v29;
	v17 =	vmul.f32 $1.000000000e+01, v30;
	[tilespmem:v21+s11+$0x0] =	vst.idx.add.s32.msk $0xffff, v31;
	v31 =	vsel vm2, $0x10001, v2  }
0xee: {  	v22 =	vor.u32 v3, v22;
	v34 =	vadd.s32 v34, v16;
	v37 =	vld [tilespmem:s18+$0x14050];
	v38 =	vmul.f32 $1.000000000e+01, v13  }
0xef: {  	vm2 =	vle.f32 v14, v35;
	v16 =	vtrunc.f32 v17;
	v17 =	vld [tilespmem:s18+$0xC010];
	v39 =	vmul.f32 $1.000000000e+01, v25  }
0xf0: {  	v36 =	vtrunc.f32 v36;
	v40 =	vsel vm2, $0xFFFFFFFF, v0;
	v35 =	vmul.f32 $1.000000000e+01, v33;
	[tilespmem:v26+s11+$0x0] =	vst.idx.add.s32.msk $0xffff, v31  }
0xf1: {  	v31 =	vtrunc.f32 v39;
	[tilespmem:v23+s11+$0x0] =	vst.idx.add.s32.msk $0xffff, v27;
	v27 =	vadd.s32 v28, v40;
	v28 =	vsel vm0, $0x1, v0  }
0xf2: {  	v36 =	vcvt.f32.s32 v36;
	v35 =	vtrunc.f32 v35;
	[tilespmem:v23+s12+$0x0] =	vst.idx.add.f32.msk $0xffff, v11;
	v23 =	vadd.s32 v28, v27;
	v11 =	vmovc v25  }
0xf3: {  	v25 =	vcvt.f32.s32 v31;
	v39 =	vmul.f32 $1.000000000e+01, v37;
	[tilespmem:v21+s12+$0x0] =	vst.idx.add.f32.msk $0xffff, v8;
	v21 =	vshll.u32 v23, $0x4;
	v8 =	vmovc v24  }
0xf4: {  	v16 =	vcvt.f32.s32 v16;
	v35 =	vcvt.f32.s32 v35;
	v21 =	vor.u32 v3, v21;
	[tilespmem:v26+s12+$0x0] =	vst.idx.add.f32.msk $0xffff, v10;
	v10 =	vmovc v37  }
0xf5: {  	v24 =	vperm.xlane v5, v36;
	v23 =	vperm.xlane v4, v25;
	v26 =	vshll.u32 v34, $0x4;
	[tilespmem:v18+s12+$0x0] =	vst.idx.add.f32.msk $0xffff, v7  }
0xf6: {  	v27 =	vperm.xlane v5, v16;
	v28 =	vtrunc.f32 v38;
	v26 =	vor.u32 v3, v26;
	v7 =	vmovc v29;
	v18 =	vld [tilespmem:s18+$0xC000]  }
0xf7: {  	vm2 =	veq.s32 v20, v12;
	vm0 =	vle.f32 v11, v23;
	v23 =	vcvt.f32.s32 v28;
	v29 =	vld [tilespmem:s18+$0x4000]  }
0xf8: {  	v31 =	vsel vm2, $0x10001, v2;
	v20 =	vperm.xlane v5, v25;
	v28 =	vperm.xlane v4, v36;
	v12 =	vld [tilespmem:s18+$0xC040]  }
0xf9: {  	v38 =	vsel vm1, $0x10001, v2;
	v34 =	vperm.xlane v4, v35;
	v37 =	vperm.xlane v4, v23;
	[tilespmem:v22+s11+$0x0] =	vst.idx.add.s32.msk $0xffff, v31  }
0xfa: {  	vm1 =	vle.f32 v7, v28;
	v28 =	vperm.xlane v5, v23;
	v31 =	vtrunc.f32 v32;
	[tilespmem:v22+s12+$0x0] =	vst.idx.add.f32.msk $0xffff, v9  }
0xfb: {  	v22 =	vsel vm0, $0xFFFFFFFF, v0;
	vm0 =	vgt.f32 v7, v24;
	vm2 =	vle.f32 v13, v37;
	[tilespmem:v21+s11+$0x0] =	vst.idx.add.s32.msk $0xffff, v38  }
0xfc: {  	v31 =	vcvt.f32.s32 v31;
	v9 =	vmovc v33;
	v24 =	vsel vm2, $0xFFFFFFFF, v0;
	vm2 =	vgt.f32 v13, v28;
	[tilespmem:v26+s11+$0x0] =	vst.idx.add.s32.msk $0xffff, v15  }
0xfd: {  	v28 =	vperm.xlane v5, v35;
	v15 =	vadd.s32 v23, v24;
	v23 =	vsel vm2, $0x1, v0;
	[tilespmem:v26+s12+$0x0] =	vst.idx.add.f32.msk $0xffff, v6  }
0xfe: {  	v24 =	vperm.xlane v5, v31;
	v26 =	vsel vm0, $0x1, v0;
	v32 =	vadd.s32 v23, v15;
	[tilespmem:v21+s12+$0x0] =	vst.idx.add.f32.msk $0xffff, v14  }
0xff: {  	v23 =	vadd.s32 v25, v22;
	v6 =	vmovc v30;
	v14 =	vsel vm1, $0xFFFFFFFF, v0;
	v15 =	vshll.u32 v32, $0x4;
	v25 =	vld [tilespmem:s18+$0xC070]  }
0x100: {  	vm0 =	veq.s32 v29, v18;
	v18 =	vperm.xlane v4, v31;
	v21 =	vor.u32 v3, v15;
	v30 =	vld [tilespmem:s18+$0xC060]  }
0x101: {  	v15 =	vsel vm0, $0x10001, v2;
	vm0 =	vgt.f32 v8, v24;
	v24 =	vadd.s32 v36, v14;
	v32 =	vld [tilespmem:s18+$0x4060]  }
0x102: {  	vm1 =	vle.f32 v8, v18;
	v33 =	vsel vm0, $0x1, v0;
	vm0 =	vgt.f32 v9, v28;
	v14 =	vld [tilespmem:s18+$0x14030]  }
0x103: {  	vm4 =	vgt.f32 v11, v20;
	v18 =	vadd.s32 v26, v24;
	v28 =	vsel vm0, $0x1, v0;
	v22 =	vld [tilespmem:s18+$0xC030]  }
.Ltmp1:
0x104: {  	v20 =	vperm.xlane v4, v16;
	v26 =	vsel vm1, $0xFFFFFFFF, v0;
	v24 =	vld [tilespmem:s18+$0x4030];
	vm3 =	veq.s32 v19, v25;
	(pc) =	sbr.rel @p0 .LBB2_5-.Ltmp1, $4  }
0x105: {  	vm0 =	vgt.f32 v6, v27;
	v18 =	vshll.u32 v18, $0x4;
	v19 =	vadd.s32 v31, v26;
	v27 =	vld [tilespmem:s18+$0xC020]  }
0x106: {  	vm1 =	vle.f32 v9, v34;
	v18 =	vor.u32 v3, v18;
	v29 =	vld [tilespmem:s18+$0x4020];
	vm2 =	veq.s32 v32, v30  }
0x107: {  	v31 =	vsel vm4, $0x1, v0;
	v26 =	vsel vm1, $0xFFFFFFFF, v0;
	v30 =	vtrunc.f32 v39;
	v25 =	vld [tilespmem:s18+$0xC050]  }
0x108: {  	s20 =	sadd.s32 $0x200, s20;
	v32 =	vadd.s32 v33, v19;
	v19 =	vadd.s32 v35, v26;
	v30 =	vcvt.f32.s32 v30;
	v26 =	vld [tilespmem:s18+$0x4050]  }
0x109: {  	v19 =	vadd.s32 v28, v19;
	v33 =	vsel vm3, $0x10001, v2;
	v23 =	vadd.s32 v31, v23  }
0x10a: {  	v32 =	vshll.u32 v32, $0x4;
	v43 =	vmul.f32 $1.000000000e+01, v14;
	v44 =	vsel vm2, $0x10001, v2  }
0x10b: {  	vm10 =	vle.f32 v6, v20;
	v59 =	vsel vm0, $0x1, v0;
	v41 =	vperm.xlane v4, v30  }
0x10c: {  	v34 =	vld [tilespmem:s18+$0x4010];
	v42 =	vperm.xlane v5, v30;
	v23 =	vshll.u32 v23, $0x4;
	v46 =	vor.u32 v3, v32  }
0x10d: {  	v54 =	vld [tilespmem:s18+$0x4040];
	v19 =	vshll.u32 v19, $0x4;
	v53 =	vsel vm10, $0xFFFFFFFF, v0;
	vm1 =	veq.s32 v29, v27  }
0x10e: {  	[tilespmem:v21+s11+$0x0] =	vst.idx.add.s32.msk $0xffff, v33;
	v27 =	vtrunc.f32 v43;
	v50 =	vor.u32 v3, v23;
	v16 =	vadd.s32 v16, v53  }
0x10f: {  	v19 =	vor.u32 v3, v19;
	vm7 =	vle.f32 v10, v41;
	vm8 =	vgt.f32 v10, v42  }
0x110: {  	[tilespmem:v18+s11+$0x0] =	vst.idx.add.s32.msk $0xffff, v44;
	v27 =	vcvt.f32.s32 v27;
	v16 =	vadd.s32 v59, v16;
	v28 =	vsel vm7, $0xFFFFFFFF, v0  }
0x111: {  	[tilespmem:v21+s12+$0x0] =	vst.idx.add.f32.msk $0xffff, v13;
	v45 =	vsel vm8, $0x1, v0;
	v62 =	vshll.u32 v16, $0x4;
	v28 =	vadd.s32 v30, v28  }
0x112: {  	vm9 =	veq.s32 v34, v17;
	v51 =	vperm.xlane v4, v27;
	v52 =	vperm.xlane v5, v27  }
0x113: {  	[tilespmem:v18+s12+$0x0] =	vst.idx.add.f32.msk $0xffff, v7;
	v63 =	vor.u32 v3, v62;
	vm14 =	veq.s32 v54, v12;
	v49 =	vsel vm9, $0x10001, v2  }
0x114: {  	v47 =	vsel vm1, $0x10001, v2;
	v28 =	vadd.s32 v45, v28;
	vm12 =	vle.f32 v14, v51;
	[tilespmem:v46+s11+$0x0] =	vst.idx.add.s32.msk $0xffff, v49  }
0x115: {  	v7 =	vsel vm14, $0x10001, v2;
	vm13 =	vgt.f32 v14, v52;
	[tilespmem:v50+s11+$0x0] =	vst.idx.add.s32.msk $0xffff, v47;
	v56 =	vsel vm12, $0xFFFFFFFF, v0  }
0x116: {  	v28 =	vshll.u32 v28, $0x4;
	[tilespmem:v19+s11+$0x0] =	vst.idx.add.s32.msk $0xffff, v7;
	v58 =	vsel vm13, $0x1, v0;
	v57 =	vadd.s32 v27, v56  }
0x117: {  	v48 =	vor.u32 v3, v28;
	[tilespmem:v50+s12+$0x0] =	vst.idx.add.f32.msk $0xffff, v11;
	v13 =	vadd.s32 v58, v57  }
0x118: {  	[tilespmem:v46+s12+$0x0] =	vst.idx.add.f32.msk $0xffff, v8;
	v60 =	vshll.u32 v13, $0x4  }
0x119: {  	s17 =	sadd.s32 $0x1, s17;
	[tilespmem:v19+s12+$0x0] =	vst.idx.add.f32.msk $0xffff, v9;
	v61 =	vor.u32 v3, v60  }
0x11a: {  	p0 =	sne.s32 s17, $0x8;
	vm11 =	veq.s32 v26, v25;
	[tilespmem:v63+s11+$0x0] =	vst.idx.add.s32.msk $0xffff, v15  }
.Ltmp2:
0x11b: {  	v55 =	vsel vm11, $0x10001, v2;
	[tilespmem:v63+s12+$0x0] =	vst.idx.add.f32.msk $0xffff, v6;
	(pc) =	sbr.rel @p0 .LBB2_2-.Ltmp2, $4  }
0x11c: {  	vm15 =	veq.s32 v24, v22;
	[tilespmem:v48+s11+$0x0] =	vst.idx.add.s32.msk $0xffff, v55  }
0x11d: {  	v7 =	vsel vm15, $0x10001, v2;
	[tilespmem:v48+s12+$0x0] =	vst.idx.add.f32.msk $0xffff, v10  }
0x11e: {  	[tilespmem:v61+s11+$0x0] =	vst.idx.add.s32.msk $0xffff, v7  }
0x11f: {  	[tilespmem:v61+s12+$0x0] =	vst.idx.add.f32.msk $0xffff, v14  }
0x120: {  	s17 =	rddreg [dreg:$0x16]  }
0x121: {  	[hbm4b:s17+s4] =	stream.linear.scatter [tilespmem:s11], [sflag:$0x7], $0x10, $0x38;
	[tilespmem:$0x18160] =	vst v63  }
0x122: {  	_ =	swait.ge [sflag:s24], $0x10  }
0x123: {  	[sflag:s24] =	ssyncset.done $0x0  }
0x124: {  	s19 =	rddreg [dreg:$0x17];
	[sflag:s24] =	ssyncadd.s32 $0xFFFFFFF0  }
0x125: {  	[hbm4b:s19+s4] =	stream.linear.scatter [tilespmem:s12], [sflag:$0x7], $0x10, $0x38;
	[tilespmem:$0x18160] =	vst v63  }
0x126: {  	_ =	swait.ge [sflag:s24], $0x10  }
0x127: {  	[sflag:s24] =	ssyncset.done $0x0  }
0x128: {  	s18 =	simm.s32 $0x18030;
	s20 =	rddreg [dreg:$0x6];
	[sflag:s24] =	ssyncadd.s32 $0xFFFFFFF0  }
0x129: {  	[hbm4b:s20+s4] =	stream.linear.scatter [tilespmem:s18], [sflag:$0x7], $0x10, $0x38;
	[tilespmem:$0x18160] =	vst v63  }
0x12a: {  	_ =	swait.ge [sflag:s24], $0x10  }
0x12b: {  	[sflag:s24] =	ssyncset.done $0x0  }
0x12c: {  	s23 =	simm.s32 $0x180D0;
	s22 =	rddreg [dreg:$0x7];
	[sflag:s24] =	ssyncadd.s32 $0xFFFFFFF0  }
0x12d: {  	[hbm4b:s22+s4] =	stream.linear.scatter [tilespmem:s23], [sflag:$0x7], $0x10, $0x38;
	[tilespmem:$0x18160] =	vst v63  }
0x12e: {  	_ =	swait.ge [sflag:s24], $0x10  }
0x12f: {  	[sflag:s24] =	ssyncset.done $0x0  }
0x130: {  	s26 =	simm.s32 $0x18040;
	s25 =	rddreg [dreg:$0x8];
	[sflag:s24] =	ssyncadd.s32 $0xFFFFFFF0  }
0x131: {  	[hbm4b:s25+s4] =	stream.linear.scatter [tilespmem:s26], [sflag:$0x7], $0x10, $0x38;
	[tilespmem:$0x18160] =	vst v63  }
0x132: {  	_ =	swait.ge [sflag:s24], $0x10  }
0x133: {  	[sflag:s24] =	ssyncset.done $0x0  }
0x134: {  	s20 =	simm.s32 $0x180E0;
	s19 =	rddreg [dreg:$0x9];
	[sflag:s24] =	ssyncadd.s32 $0xFFFFFFF0  }
0x135: {  	[hbm4b:s19+s4] =	stream.linear.scatter [tilespmem:s20], [sflag:$0x7], $0x10, $0x38;
	[tilespmem:$0x18160] =	vst v63  }
0x136: {  	_ =	swait.ge [sflag:s24], $0x10  }
0x137: {  	[sflag:s24] =	ssyncset.done $0x0  }
0x138: {  	s23 =	simm.s32 $0x18050;
	s22 =	rddreg [dreg:$0xa];
	[sflag:s24] =	ssyncadd.s32 $0xFFFFFFF0  }
0x139: {  	[hbm4b:s22+s4] =	stream.linear.scatter [tilespmem:s23], [sflag:$0x7], $0x10, $0x38;
	[tilespmem:$0x18160] =	vst v63  }
0x13a: {  	_ =	swait.ge [sflag:s24], $0x10  }
0x13b: {  	[sflag:s24] =	ssyncset.done $0x0  }
0x13c: {  	s26 =	simm.s32 $0x180F0;
	s25 =	rddreg [dreg:$0xb];
	[sflag:s24] =	ssyncadd.s32 $0xFFFFFFF0  }
0x13d: {  	[hbm4b:s25+s4] =	stream.linear.scatter [tilespmem:s26], [sflag:$0x7], $0x10, $0x38;
	[tilespmem:$0x18160] =	vst v63  }
0x13e: {  	_ =	swait.ge [sflag:s24], $0x10  }
0x13f: {  	[sflag:s24] =	ssyncset.done $0x0  }
0x140: {  	s20 =	simm.s32 $0x18060;
	s19 =	rddreg [dreg:$0xc];
	[sflag:s24] =	ssyncadd.s32 $0xFFFFFFF0  }
0x141: {  	[hbm4b:s19+s4] =	stream.linear.scatter [tilespmem:s20], [sflag:$0x7], $0x10, $0x38;
	[tilespmem:$0x18160] =	vst v63  }
0x142: {  	_ =	swait.ge [sflag:s24], $0x10  }
0x143: {  	[sflag:s24] =	ssyncset.done $0x0  }
0x144: {  	s23 =	simm.s32 $0x18100;
	s22 =	rddreg [dreg:$0xd];
	[sflag:s24] =	ssyncadd.s32 $0xFFFFFFF0  }
0x145: {  	[hbm4b:s22+s4] =	stream.linear.scatter [tilespmem:s23], [sflag:$0x7], $0x10, $0x38;
	[tilespmem:$0x18160] =	vst v63  }
0x146: {  	_ =	swait.ge [sflag:s24], $0x10  }
0x147: {  	[sflag:s24] =	ssyncset.done $0x0  }
0x148: {  	s26 =	simm.s32 $0x18070;
	s25 =	rddreg [dreg:$0xe];
	[sflag:s24] =	ssyncadd.s32 $0xFFFFFFF0  }
0x149: {  	[hbm4b:s25+s4] =	stream.linear.scatter [tilespmem:s26], [sflag:$0x7], $0x10, $0x38;
	[tilespmem:$0x18160] =	vst v63  }
0x14a: {  	_ =	swait.ge [sflag:s24], $0x10  }
0x14b: {  	[sflag:s24] =	ssyncset.done $0x0  }
0x14c: {  	s20 =	simm.s32 $0x18110;
	s19 =	rddreg [dreg:$0xf];
	[sflag:s24] =	ssyncadd.s32 $0xFFFFFFF0  }
0x14d: {  	[hbm4b:s19+s4] =	stream.linear.scatter [tilespmem:s20], [sflag:$0x7], $0x10, $0x38;
	[tilespmem:$0x18160] =	vst v63  }
0x14e: {  	_ =	swait.ge [sflag:s24], $0x10  }
0x14f: {  	[sflag:s24] =	ssyncset.done $0x0  }
0x150: {  	s23 =	simm.s32 $0x18080;
	s22 =	rddreg [dreg:$0x10];
	[sflag:s24] =	ssyncadd.s32 $0xFFFFFFF0  }
0x151: {  	[hbm4b:s22+s4] =	stream.linear.scatter [tilespmem:s23], [sflag:$0x7], $0x10, $0x38;
	[tilespmem:$0x18160] =	vst v63  }
0x152: {  	_ =	swait.ge [sflag:s24], $0x10  }
0x153: {  	[sflag:s24] =	ssyncset.done $0x0  }
0x154: {  	s26 =	simm.s32 $0x18120;
	s25 =	rddreg [dreg:$0x11];
	[sflag:s24] =	ssyncadd.s32 $0xFFFFFFF0  }
0x155: {  	[hbm4b:s25+s4] =	stream.linear.scatter [tilespmem:s26], [sflag:$0x7], $0x10, $0x38;
	[tilespmem:$0x18160] =	vst v63  }
0x156: {  	_ =	swait.ge [sflag:s24], $0x10  }
0x157: {  	[sflag:s24] =	ssyncset.done $0x0  }
0x158: {  	s20 =	simm.s32 $0x18090;
	s19 =	rddreg [dreg:$0x12];
	[sflag:s24] =	ssyncadd.s32 $0xFFFFFFF0  }
0x159: {  	[hbm4b:s19+s4] =	stream.linear.scatter [tilespmem:s20], [sflag:$0x7], $0x10, $0x38;
	[tilespmem:$0x18160] =	vst v63  }
0x15a: {  	_ =	swait.ge [sflag:s24], $0x10  }
0x15b: {  	[sflag:s24] =	ssyncset.done $0x0  }
0x15c: {  	s23 =	simm.s32 $0x18130;
	s22 =	rddreg [dreg:$0x13];
	[sflag:s24] =	ssyncadd.s32 $0xFFFFFFF0  }
0x15d: {  	[hbm4b:s22+s4] =	stream.linear.scatter [tilespmem:s23], [sflag:$0x7], $0x10, $0x38;
	[tilespmem:$0x18160] =	vst v63  }
0x15e: {  	_ =	swait.ge [sflag:s24], $0x10  }
0x15f: {  	[sflag:s24] =	ssyncset.done $0x0  }
0x160: {  	s26 =	simm.s32 $0x180A0;
	s25 =	rddreg [dreg:$0x14];
	[sflag:s24] =	ssyncadd.s32 $0xFFFFFFF0  }
0x161: {  	[hbm4b:s25+s4] =	stream.linear.scatter [tilespmem:s26], [sflag:$0x7], $0x10, $0x38;
	[tilespmem:$0x18160] =	vst v63  }
0x162: {  	_ =	swait.ge [sflag:s24], $0x10  }
0x163: {  	[sflag:s24] =	ssyncset.done $0x0  }
0x164: {  	s20 =	simm.s32 $0x18140;
	s19 =	rddreg [dreg:$0x15];
	[sflag:s24] =	ssyncadd.s32 $0xFFFFFFF0  }
0x165: {  	[hbm4b:s19+s4] =	stream.linear.scatter [tilespmem:s20], [sflag:$0x7], $0x10, $0x38;
	[tilespmem:$0x18160] =	vst v63  }
0x166: {  	_ =	swait.ge [sflag:s24], $0x10  }
0x167: {  	[sflag:s24] =	ssyncset.done $0x0  }
0x168: {  	s23 =	simm.s32 $0x180B0;
	s22 =	rddreg [dreg:$0x18];
	[sflag:s24] =	ssyncadd.s32 $0xFFFFFFF0  }
0x169: {  	[hbm4b:s22+s4] =	stream.linear.scatter [tilespmem:s23], [sflag:$0x7], $0x10, $0x38;
	[tilespmem:$0x18160] =	vst v63  }
0x16a: {  	s16 =	sadd.s32 $0x1, s16;
	_ =	swait.ge [sflag:s24], $0x10  }
0x16b: {  	p0 =	sne.s32 s16, s21;
	s26 =	simm.s32 $0x18150;
	[sflag:s24] =	ssyncset.done $0x0  }
.Ltmp3:
0x16c: {  	s25 =	rddreg [dreg:$0x19];
	[sflag:s24] =	ssyncadd.s32 $0xFFFFFFF0;
	(pc) =	sbr.rel @p0 .LBB2_1-.Ltmp3, $4  }
0x16d: {  	[hbm4b:s25+s4] =	stream.linear.scatter [tilespmem:s26], [sflag:$0x7], $0x10, $0x38;
	[tilespmem:$0x18160] =	vst v63  }
0x16e: {  	_ =	swait.ge [sflag:s24], $0x10  }
0x16f: {  	[sflag:s24] =	ssyncset.done $0x0  }
0x170: {  	[sflag:s24] =	ssyncadd.s32 $0xFFFFFFF0  }
0x171: {  	_ =	sfence.sel $0x180000  }
0x172: {  	[bflag:$0x0] =	sbarrier.arrive $0xFFFF  }
0x173: {  	_ =	strace $0x90000047  }
0x174: {  	s0 =	stileid.u32;
	[bflag:$0x2] =	sbarrier.arrive $0xFFFF  }
0x175: {  	p0 =	sne.s32 s0, $0x0;
	s0 =	rddreg [dreg:$0x5]  }
0x176: {  	s0 =	sadd.s32 @!p0 $0x100000, s0  }
0x177: {  	[sflag:s0] =	ssyncadd.tile.s32 @!p0 $0x1;
	_ =	shalt  }
.Lfunc_end2:
_tile_overlayer_lowered:
.L_overlay_start_2:
0x178: {  	(tag) =	ssettag $0x2  }
0x179: {  	s0 =	rddreg [dreg:$0x0];
	s2 =	stileid.u32  }
0x17a: {  	s1 =	rddreg [dreg:$0x1];
	p0 =	sne.s32 s2, $0x0  }
0x17b: {  	s3 =	rddreg [dreg:$0x2];
	[bflag:$0x3] =	sbarrier.arrive $0xFFFF;
	s2 =	simm.s32 @!p0 $0x1C07  }
0x17c: {  	[timem:s3], [sflag:s2] =	dma.local @!p0 [hbm:s0], s1  }
0x17d: {  	s0 =	simm.s32 @!p0 $0x7  }
0x17e: {  	_ =	swait.ge @!p0 [sflag:s0], s1  }
0x17f: {  	s1 =	ssub.s32 @!p0 $0x0, s1;
	[sflag:s0] =	ssyncset.done @!p0 $0x0  }
0x180: {  	[sflag:s0] =	ssyncadd.s32 @!p0 s1  }
0x181: {  	[bflag:$0x3] =	sbarrier.arrive $0xFFFF  }
0x182: {  	_ =	shalt  }

</sc_bundles>
